<compile_context>
chip_gen: v7x
topology: tpu7x:2x2x1
jax: 0.10.2.dev20260603
libtpu: 0.0.44.dev20260713+nightly
codegen_flags: <defaults>
</compile_context>

<pallas_src>
import functools

import jax
import jax.numpy as jnp
from jax import lax
from jax.experimental import pallas as pl
from jax.experimental.pallas import tpu as pltpu
from jax.experimental.pallas import tpu_sc as plsc

N = 10000
D = 128
E = 320000

NC = 2
NS = 16
NW = NC * NS

NPAD = 10240
RPT = NPAD // NS
EPAD = 327680
EPW = EPAD // NW
CH = 128
NCH = EPW // CH
GCH = 16
G0 = 9
G1 = 1
NGT = NS * (G0 + G1)

def _deg_body(dst_hbm, ones_hbm, z1_hbm, out_hbm, didx, ones_v, deg_acc):
    c = lax.axis_index("c")
    s = lax.axis_index("s")
    wid = s * NC + c

    pltpu.sync_copy(z1_hbm.at[pl.ds(s * RPT, RPT)],
                    deg_acc.at[pl.ds(s * RPT, RPT)])
    pltpu.sync_copy(ones_hbm, ones_v)
    pltpu.sync_copy(dst_hbm.at[wid], didx)
    plsc.subcore_barrier()

    def body(k, _):
        pltpu.sync_copy(ones_v, deg_acc.at[didx.at[k]], add=True)
        return 0

    lax.fori_loop(0, NCH, body, 0)
    plsc.subcore_barrier()
    pltpu.sync_copy(deg_acc.at[pl.ds(s * RPT, RPT)],
                    out_hbm.at[pl.ds(c * NPAD + s * RPT, RPT)])


def _agg_body(hp_hbm, src_hbm, dst_hbm, z2_hbm, out_hbm,
              sidx, didx, rows_a, rows_b, acc, sem_a, sem_b):
    c = lax.axis_index("c")
    s = lax.axis_index("s")
    base_w = jnp.where(c == 0, s * G0, NS * G0 + s * G1)
    ngrp = jnp.where(c == 0, G0, G1)

    pltpu.sync_copy(z2_hbm.at[pl.ds(s * RPT, RPT)],
                    acc.at[pl.ds(s * RPT, RPT)])
    plsc.subcore_barrier()

    def grp(j, _):
        base = base_w + j
        pltpu.sync_copy(src_hbm.at[base], sidx)
        pltpu.sync_copy(dst_hbm.at[base], didx)
        pltpu.async_copy(hp_hbm.at[sidx.at[0]], rows_a, sem_a)

        def pair(i, _):
            e = i * 2
            pltpu.make_async_copy(hp_hbm.at[sidx.at[e]], rows_a,
                                  sem_a).wait()
            pltpu.async_copy(hp_hbm.at[sidx.at[e + 1]], rows_b, sem_b)
            pltpu.sync_copy(rows_a, acc.at[didx.at[e]], add=True)
            pltpu.make_async_copy(hp_hbm.at[sidx.at[e + 1]], rows_b,
                                  sem_b).wait()

            @pl.when(i < GCH // 2 - 1)
            def _():
                pltpu.async_copy(hp_hbm.at[sidx.at[e + 2]], rows_a, sem_a)

            pltpu.sync_copy(rows_b, acc.at[didx.at[e + 1]], add=True)
            return 0

        lax.fori_loop(0, GCH // 2, pair, 0)
        return 0

    lax.fori_loop(0, ngrp, grp, 0)
    plsc.subcore_barrier()
    pltpu.sync_copy(acc.at[pl.ds(s * RPT, RPT)],
                    out_hbm.at[pl.ds(c * NPAD + s * RPT, RPT)])


@functools.cache
def _sc_kernels():
    mesh = plsc.VectorSubcoreMesh(core_axis_name="c", subcore_axis_name="s",
                                  num_cores=NC, num_subcores=NS)
    deg = pl.kernel(
        _deg_body,
        out_type=jax.ShapeDtypeStruct((2 * NPAD,), jnp.float32),
        mesh=mesh,
        scratch_types=[
            pltpu.VMEM((NCH, CH), jnp.int32),
            pltpu.VMEM((CH,), jnp.float32),
            pltpu.VMEM_SHARED((NPAD,), jnp.float32),
        ],
    )
    agg = pl.kernel(
        _agg_body,
        out_type=jax.ShapeDtypeStruct((2 * NPAD, D), jnp.float32),
        mesh=mesh,
        scratch_types=[
            pltpu.VMEM((GCH, CH), jnp.int32),
            pltpu.VMEM((GCH, CH), jnp.int32),
            pltpu.VMEM((CH, D), jnp.float32),
            pltpu.VMEM((CH, D), jnp.float32),
            pltpu.VMEM_SHARED((NPAD, D), jnp.float32),
            pltpu.SemaphoreType.DMA,
            pltpu.SemaphoreType.DMA,
        ],
    )
    return deg, agg


BN = 1000


def _scale_mm_body(x_ref, w_ref, degp_ref, o_ref):
    dis = lax.rsqrt(1.0 + degp_ref[0] + degp_ref[1])
    o_ref[...] = jnp.dot(x_ref[...], w_ref[...],
                         preferred_element_type=jnp.float32) * dis


def _mid_body(p0_ref, p1_ref, hp_ref, degp_ref, b_ref, w_ref, o_ref):
    dis = lax.rsqrt(1.0 + degp_ref[0] + degp_ref[1])
    z = p0_ref[0] + p1_ref[0] + hp_ref[...]
    z = jnp.maximum(dis * z + b_ref[...][None, :], 0.0)
    o_ref[...] = jnp.dot(z, w_ref[...],
                         preferred_element_type=jnp.float32) * dis


def _final_body(p0_ref, p1_ref, hp_ref, degp_ref, b_ref, wl_ref, bl_ref,
                o_ref):
    dis = lax.rsqrt(1.0 + degp_ref[0] + degp_ref[1])
    z = p0_ref[0] + p1_ref[0] + hp_ref[...]
    z = jnp.maximum(dis * z + b_ref[...][None, :], 0.0)
    o_ref[...] = (jnp.dot(z, wl_ref[...],
                          preferred_element_type=jnp.float32)
                  + bl_ref[...][None, :])


def _row_spec(shape):
    return pl.BlockSpec(shape, lambda i: (i, 0))


_degp_spec = pl.BlockSpec((2, BN, 1), lambda i: (0, i, 0))
_full2_spec = pl.BlockSpec((D, D), lambda i: (0, 0))
_b_spec = pl.BlockSpec((D,), lambda i: (0,))
_p0_spec = pl.BlockSpec((1, BN, D), lambda i: (0, i, 0))
_p1_spec = pl.BlockSpec((1, BN, D), lambda i: (1, i, 0))


def _scale_mm(x, w, degp):
    return pl.pallas_call(
        _scale_mm_body,
        grid=(N // BN,),
        in_specs=[_row_spec((BN, D)), _full2_spec, _degp_spec],
        out_specs=_row_spec((BN, D)),
        out_shape=jax.ShapeDtypeStruct((N, D), jnp.float32),
    )(x, w, degp)


def _mid(p, hp, degp, b, w):
    return pl.pallas_call(
        _mid_body,
        grid=(N // BN,),
        in_specs=[_p0_spec, _p1_spec, _row_spec((BN, D)), _degp_spec,
                  _b_spec, _full2_spec],
        out_specs=_row_spec((BN, D)),
        out_shape=jax.ShapeDtypeStruct((N, D), jnp.float32),
    )(p, p, hp, degp, b, w)


def _final(p, hp, degp, b, wl, bl):
    return pl.pallas_call(
        _final_body,
        grid=(N // BN,),
        in_specs=[_p0_spec, _p1_spec, _row_spec((BN, D)), _degp_spec,
                  _b_spec, pl.BlockSpec((D, 1), lambda i: (0, 0)),
                  pl.BlockSpec((1,), lambda i: (0,))],
        out_specs=_row_spec((BN, 1)),
        out_shape=jax.ShapeDtypeStruct((N, 1), jnp.float32),
    )(p, p, hp, degp, b, wl, bl)


def kernel(x, edge_index, W1, b1, W2, b2, Wl, bl):
    src = edge_index[0]
    dst = edge_index[1]
    pad = EPAD - E
    srcp = jnp.concatenate([src, jnp.zeros((pad,), jnp.int32)])
    dstp = jnp.concatenate([dst, jnp.full((pad,), N, jnp.int32)])
    dst3 = dstp.reshape(NW, NCH, CH)
    src4 = srcp.reshape(NGT, GCH, CH)
    dst4 = dstp.reshape(NGT, GCH, CH)

    ones1 = jnp.ones((CH,), jnp.float32)
    z1 = jnp.zeros((NPAD,), jnp.float32)
    z2 = jnp.zeros((NPAD, D), jnp.float32)

    deg_kernel, agg_kernel = _sc_kernels()
    degp = deg_kernel(dst3, ones1, z1).reshape(2, NPAD, 1)

    h1p = _scale_mm(x, W1, degp)
    p1 = agg_kernel(h1p, src4, dst4, z2).reshape(2, NPAD, D)
    h2p = _mid(p1, h1p, degp, b1, W2)
    p2 = agg_kernel(h2p, src4, dst4, z2).reshape(2, NPAD, D)
    return _final(p2, h2p, degp, b2, Wl, bl)

# --- scband reference (transcript-rebuilt; emitter-appended) ---
"""Pipeline reference for scband-gnnmodel-7516192768248 (READ-ONLY COPY).

The authoritative reference and input builder live on the scoring server;
editing this copy changes nothing except your own understanding.
"""

import jax, jax.numpy as jnp
import numpy as np

N = 10000
E = 320000
D_IN = 128
D_H = 128
D_OUT = 128


def setup_inputs(seed: int = 0) -> dict:
    key = jax.random.key(seed)
    ks = jax.random.split(key, 8)
    x = jax.random.normal(ks[0], (N, D_IN), dtype=jnp.float32)
    edge_index = jax.random.randint(ks[1], (2, E), 0, N, dtype=jnp.int32)
    W1 = jax.random.normal(ks[2], (D_IN, D_H), dtype=jnp.float32) * (1.0 / np.sqrt(D_IN))
    b1 = jnp.zeros((D_H,), dtype=jnp.float32)
    W2 = jax.random.normal(ks[3], (D_H, D_OUT), dtype=jnp.float32) * (1.0 / np.sqrt(D_H))
    b2 = jnp.zeros((D_OUT,), dtype=jnp.float32)
    Wl = jax.random.normal(ks[4], (D_OUT, 1), dtype=jnp.float32) * (1.0 / np.sqrt(D_OUT))
    bl = jnp.zeros((1,), dtype=jnp.float32)
    return {"x": x, "edge_index": edge_index, "W1": W1, "b1": b1, "W2": W2, "b2": b2, "Wl": Wl, "bl": bl}


def _gcn_conv(x, edge_index, W, b):
    # Faithful PyG GCNConv: add self-loops, symmetric deg^{-1/2} normalization,
    # linear transform, gather messages from src, scatter-add into dst.
    n = x.shape[0]
    src = edge_index[0]
    dst = edge_index[1]
    loop = jnp.arange(n, dtype=src.dtype)
    src = jnp.concatenate([src, loop])
    dst = jnp.concatenate([dst, loop])
    deg = jnp.zeros((n,), dtype=jnp.float32).at[dst].add(1.0)
    deg_inv_sqrt = jax.lax.rsqrt(deg)  # deg >= 1 due to self-loops
    norm = deg_inv_sqrt[src] * deg_inv_sqrt[dst]
    h = x @ W
    msg = jnp.take(h, src, axis=0) * norm[:, None]
    out = jnp.zeros((n, h.shape[1]), dtype=jnp.float32).at[dst].add(msg)
    return out + b


def reference(x, edge_index, W1, b1, W2, b2, Wl, bl):
    h = jax.nn.relu(_gcn_conv(x, edge_index, W1, b1))
    h = jax.nn.relu(_gcn_conv(h, edge_index, W2, b2))
    return h @ Wl + bl

if __name__ == "__main__":
    import jax
    _d = setup_inputs()
    print(jax.jit(kernel)(*tuple(_d.values())))

</pallas_src>

<mosaic_0001>
#map = affine_map<(d0, d1) -> (0, 0, 0)>
#map1 = affine_map<(d0, d1) -> (0)>
module attributes {stable_mosaic.version = 14 : i64} {
  func.func @_deg_body(%arg0: i32, %arg1: i32, %arg2: memref<32x80x128xi32, #tpu.memory_space<hbm>>, %arg3: memref<128xf32, #tpu.memory_space<hbm>>, %arg4: memref<10240xf32, #tpu.memory_space<hbm>>, %arg5: memref<20480xf32, #tpu.memory_space<hbm>>, %arg6: memref<80x128xi32, #tpu.memory_space<vmem>>, %arg7: memref<128xf32, #tpu.memory_space<vmem>>, %arg8: memref<10240xf32, #tpu.memory_space<vmem_shared>>) attributes {dimension_semantics = [#tpu.dimension_semantics<core_parallel>, #tpu.dimension_semantics<subcore_parallel>], iteration_bounds = array<i64: 2, 16>, scalar_prefetch = 0 : i64, scratch_operands = 3 : i64, tpu.core_type = #tpu.core_type<sc_vector_subcore>, window_params = [{transform_indices = #map}, {transform_indices = #map1}, {transform_indices = #map1}, {transform_indices = #map1}]} {
    %mul3A = arith.constant 2 : i32
    %mul3A_0 = arith.muli %arg1, %mul3A : i32
    %add3A = arith.addi %mul3A_0, %arg0 : i32
    %mul3A_1 = arith.constant 640 : i32
    %mul3A_2 = arith.muli %arg1, %mul3A_1 : i32
    %mul3A_3 = arith.constant 640 : i32
    %mul3A_4 = arith.muli %arg1, %mul3A_3 : i32
    "tpu.region"() ({
      %run_scoped3A = tpu.sem_alloc : memref<!tpu.dma_semaphore, #tpu.memory_space<semaphore_mem>>
      %dma_start3A = tpu.memref_slice %arg8[%mul3A_4] : memref<10240xf32, #tpu.memory_space<vmem_shared>> -> memref<640xf32, #tpu.memory_space<vmem_shared>>
      %dma_start3A_19 = tpu.memref_slice %arg4[%mul3A_2] : memref<10240xf32, #tpu.memory_space<hbm>> -> memref<640xf32, #tpu.memory_space<hbm>>
      tpu.enqueue_dma source(%dma_start3A_19 : memref<640xf32, #tpu.memory_space<hbm>>) target(%dma_start3A : memref<640xf32, #tpu.memory_space<vmem_shared>>) target_semaphore(%run_scoped3A : memref<!tpu.dma_semaphore, #tpu.memory_space<semaphore_mem>>)
      %dma_wait3A = tpu.memref_slice %arg8[%mul3A_4] : memref<10240xf32, #tpu.memory_space<vmem_shared>> -> memref<640xf32, #tpu.memory_space<vmem_shared>>
      %dma_wait3A_20 = tpu.memref_slice %arg4[%mul3A_2] : memref<10240xf32, #tpu.memory_space<hbm>> -> memref<640xf32, #tpu.memory_space<hbm>>
      tpu.wait_dma2 semaphore(%run_scoped3A : memref<!tpu.dma_semaphore, #tpu.memory_space<semaphore_mem>>) src(%dma_wait3A_20 : memref<640xf32, #tpu.memory_space<hbm>>) dst(%dma_wait3A : memref<640xf32, #tpu.memory_space<vmem_shared>>)
      tpu.yield
    }) : () -> ()
    "tpu.region"() ({
      %run_scoped3A = tpu.sem_alloc : memref<!tpu.dma_semaphore, #tpu.memory_space<semaphore_mem>>
      tpu.enqueue_dma source(%arg3 : memref<128xf32, #tpu.memory_space<hbm>>) target(%arg7 : memref<128xf32, #tpu.memory_space<vmem>>) target_semaphore(%run_scoped3A : memref<!tpu.dma_semaphore, #tpu.memory_space<semaphore_mem>>)
      tpu.wait_dma2 semaphore(%run_scoped3A : memref<!tpu.dma_semaphore, #tpu.memory_space<semaphore_mem>>) src(%arg3 : memref<128xf32, #tpu.memory_space<hbm>>) dst(%arg7 : memref<128xf32, #tpu.memory_space<vmem>>)
      tpu.yield
    }) : () -> ()
    "tpu.region"() ({
      %run_scoped3A = tpu.sem_alloc : memref<!tpu.dma_semaphore, #tpu.memory_space<semaphore_mem>>
      %dma_start3A = arith.constant 0 : i32
      %dma_start3A_19 = arith.constant 0 : i32
      %dma_start3A_20 = tpu.memref_slice %arg2[%add3A, %dma_start3A, %dma_start3A_19] : memref<32x80x128xi32, #tpu.memory_space<hbm>> -> memref<1x80x128xi32, #tpu.memory_space<hbm>>
      %dma_start3A_21 = tpu.memref_squeeze %dma_start3A_20 : memref<1x80x128xi32, #tpu.memory_space<hbm>> -> memref<80x128xi32, #tpu.memory_space<hbm>>
      %dma_start3A_22 = arith.constant 0 : i32
      %dma_start3A_23 = arith.constant 0 : i32
      %dma_start3A_24 = tpu.memref_slice %arg2[%add3A, %dma_start3A_22, %dma_start3A_23] : memref<32x80x128xi32, #tpu.memory_space<hbm>> -> memref<1x80x128xi32, #tpu.memory_space<hbm>>
      %dma_start3A_25 = tpu.memref_squeeze %dma_start3A_24 : memref<1x80x128xi32, #tpu.memory_space<hbm>> -> memref<80x128xi32, #tpu.memory_space<hbm>>
      tpu.enqueue_dma source(%dma_start3A_25 : memref<80x128xi32, #tpu.memory_space<hbm>>) target(%arg6 : memref<80x128xi32, #tpu.memory_space<vmem>>) target_semaphore(%run_scoped3A : memref<!tpu.dma_semaphore, #tpu.memory_space<semaphore_mem>>)
      %dma_wait3A = arith.constant 0 : i32
      %dma_wait3A_26 = arith.constant 0 : i32
      %dma_wait3A_27 = tpu.memref_slice %arg2[%add3A, %dma_wait3A, %dma_wait3A_26] : memref<32x80x128xi32, #tpu.memory_space<hbm>> -> memref<1x80x128xi32, #tpu.memory_space<hbm>>
      %dma_wait3A_28 = tpu.memref_squeeze %dma_wait3A_27 : memref<1x80x128xi32, #tpu.memory_space<hbm>> -> memref<80x128xi32, #tpu.memory_space<hbm>>
      %dma_wait3A_29 = arith.constant 0 : i32
      %dma_wait3A_30 = arith.constant 0 : i32
      %dma_wait3A_31 = tpu.memref_slice %arg2[%add3A, %dma_wait3A_29, %dma_wait3A_30] : memref<32x80x128xi32, #tpu.memory_space<hbm>> -> memref<1x80x128xi32, #tpu.memory_space<hbm>>
      %dma_wait3A_32 = tpu.memref_squeeze %dma_wait3A_31 : memref<1x80x128xi32, #tpu.memory_space<hbm>> -> memref<80x128xi32, #tpu.memory_space<hbm>>
      tpu.wait_dma2 semaphore(%run_scoped3A : memref<!tpu.dma_semaphore, #tpu.memory_space<semaphore_mem>>) src(%dma_wait3A_32 : memref<80x128xi32, #tpu.memory_space<hbm>>) dst(%arg6 : memref<80x128xi32, #tpu.memory_space<vmem>>)
      tpu.yield
    }) : () -> ()
    %barrier3A = arith.constant 0 : index
    tpu.barrier barrier_id(%barrier3A)
    %scan3A = arith.constant 0 : i32
    %scan3A_5 = arith.constant 0 : i32
    %scan3A_6 = arith.constant 80 : i32
    %scan3A_7 = arith.addi %scan3A_5, %scan3A_6 : i32
    %scan3A_8 = arith.constant 1 : i32
    %scan3A_9 = scf.for %scan3A_19 = %scan3A_5 to %scan3A_7 step %scan3A_8 iter_args(%scan3A_20 = %scan3A) -> (i32)  : i32 {
      "tpu.region"() ({
        %run_scoped3A = tpu.sem_alloc : memref<!tpu.dma_semaphore, #tpu.memory_space<semaphore_mem>>
        %dma_start3A = arith.constant 0 : i32
        %dma_start3A_22 = tpu.memref_slice %arg6[%scan3A_19, %dma_start3A] : memref<80x128xi32, #tpu.memory_space<vmem>> -> memref<1x128xi32, #tpu.memory_space<vmem>>
        %dma_start3A_23 = tpu.memref_squeeze %dma_start3A_22 : memref<1x128xi32, #tpu.memory_space<vmem>> -> memref<128xi32, #tpu.memory_space<vmem>>
        %dma_start3A_24 = arith.constant 0 : i32
        %dma_start3A_25 = tpu.memref_slice %arg8[%dma_start3A_24] : memref<10240xf32, #tpu.memory_space<vmem_shared>> -> memref<10240xf32, #tpu.memory_space<vmem_shared>>
        tpu.enqueue_indirect_dma source(%arg7 : memref<128xf32, #tpu.memory_space<vmem>>) target(%dma_start3A_25 : memref<10240xf32, #tpu.memory_space<vmem_shared>>) offsets(%dma_start3A_23 : memref<128xi32, #tpu.memory_space<vmem>>) semaphore(%run_scoped3A : memref<!tpu.dma_semaphore, #tpu.memory_space<semaphore_mem>>) {add = true}
        %dma_wait3A = arith.constant 0 : i32
        %dma_wait3A_26 = tpu.memref_slice %arg6[%scan3A_19, %dma_wait3A] : memref<80x128xi32, #tpu.memory_space<vmem>> -> memref<1x128xi32, #tpu.memory_space<vmem>>
        %dma_wait3A_27 = tpu.memref_squeeze %dma_wait3A_26 : memref<1x128xi32, #tpu.memory_space<vmem>> -> memref<128xi32, #tpu.memory_space<vmem>>
        %dma_wait3A_28 = arith.constant 0 : i32
        %dma_wait3A_29 = tpu.memref_slice %arg8[%dma_wait3A_28] : memref<10240xf32, #tpu.memory_space<vmem_shared>> -> memref<10240xf32, #tpu.memory_space<vmem_shared>>
        tpu.wait_indirect_dma semaphore(%run_scoped3A : memref<!tpu.dma_semaphore, #tpu.memory_space<semaphore_mem>>) src(%arg7 : memref<128xf32, #tpu.memory_space<vmem>>) dst(%dma_wait3A_29 : memref<10240xf32, #tpu.memory_space<vmem_shared>>)
        tpu.yield
      }) : () -> ()
      %scan3A_21 = arith.constant 0 : i32
      scf.yield %scan3A_21 : i32
    }
    %scan3A_10 = arith.constant 80 : i32
    %barrier3A_11 = arith.constant 0 : index
    tpu.barrier barrier_id(%barrier3A_11)
    %mul3A_12 = arith.constant 640 : i32
    %mul3A_13 = arith.muli %arg1, %mul3A_12 : i32
    %mul3A_14 = arith.constant 10240 : i32
    %mul3A_15 = arith.muli %arg0, %mul3A_14 : i32
    %mul3A_16 = arith.constant 640 : i32
    %mul3A_17 = arith.muli %arg1, %mul3A_16 : i32
    %add3A_18 = arith.addi %mul3A_15, %mul3A_17 : i32
    "tpu.region"() ({
      %run_scoped3A = tpu.sem_alloc : memref<!tpu.dma_semaphore, #tpu.memory_space<semaphore_mem>>
      %dma_start3A = tpu.memref_slice %arg5[%add3A_18] : memref<20480xf32, #tpu.memory_space<hbm>> -> memref<640xf32, #tpu.memory_space<hbm>>
      %dma_start3A_19 = tpu.memref_slice %arg8[%mul3A_13] : memref<10240xf32, #tpu.memory_space<vmem_shared>> -> memref<640xf32, #tpu.memory_space<vmem_shared>>
      tpu.enqueue_dma source(%dma_start3A_19 : memref<640xf32, #tpu.memory_space<vmem_shared>>) target(%dma_start3A : memref<640xf32, #tpu.memory_space<hbm>>) target_semaphore(%run_scoped3A : memref<!tpu.dma_semaphore, #tpu.memory_space<semaphore_mem>>)
      %dma_wait3A = tpu.memref_slice %arg5[%add3A_18] : memref<20480xf32, #tpu.memory_space<hbm>> -> memref<640xf32, #tpu.memory_space<hbm>>
      %dma_wait3A_20 = tpu.memref_slice %arg8[%mul3A_13] : memref<10240xf32, #tpu.memory_space<vmem_shared>> -> memref<640xf32, #tpu.memory_space<vmem_shared>>
      tpu.wait_dma2 semaphore(%run_scoped3A : memref<!tpu.dma_semaphore, #tpu.memory_space<semaphore_mem>>) src(%dma_wait3A_20 : memref<640xf32, #tpu.memory_space<vmem_shared>>) dst(%dma_wait3A : memref<640xf32, #tpu.memory_space<hbm>>)
      tpu.yield
    }) : () -> ()
    return
  }
}

#map = affine_map<(d0, d1) -> (0, 0)>
#map1 = affine_map<(d0, d1) -> (0, 0, 0)>
module attributes {stable_mosaic.version = 14 : i64} {
  func.func @_agg_body(%arg0: i32, %arg1: i32, %arg2: memref<10000x128xf32, #tpu.memory_space<hbm>>, %arg3: memref<160x16x128xi32, #tpu.memory_space<hbm>>, %arg4: memref<160x16x128xi32, #tpu.memory_space<hbm>>, %arg5: memref<10240x128xf32, #tpu.memory_space<hbm>>, %arg6: memref<20480x128xf32, #tpu.memory_space<hbm>>, %arg7: memref<16x128xi32, #tpu.memory_space<vmem>>, %arg8: memref<16x128xi32, #tpu.memory_space<vmem>>, %arg9: memref<128x128xf32, #tpu.memory_space<vmem>>, %arg10: memref<128x128xf32, #tpu.memory_space<vmem>>, %arg11: memref<10240x128xf32, #tpu.memory_space<vmem_shared>>, %arg12: memref<!tpu.dma_semaphore, #tpu.memory_space<semaphore_mem>>, %arg13: memref<!tpu.dma_semaphore, #tpu.memory_space<semaphore_mem>>) attributes {dimension_semantics = [#tpu.dimension_semantics<core_parallel>, #tpu.dimension_semantics<subcore_parallel>], iteration_bounds = array<i64: 2, 16>, scalar_prefetch = 0 : i64, scratch_operands = 7 : i64, tpu.core_type = #tpu.core_type<sc_vector_subcore>, window_params = [{transform_indices = #map}, {transform_indices = #map1}, {transform_indices = #map1}, {transform_indices = #map}, {transform_indices = #map}]} {
    %eq3A = arith.constant 0 : i32
    %eq3A_0 = arith.cmpi eq, %arg0, %eq3A : i32
    %mul3A = arith.constant 9 : i32
    %mul3A_1 = arith.muli %arg1, %mul3A : i32
    %mul3A_2 = arith.constant 1 : i32
    %mul3A_3 = arith.muli %arg1, %mul3A_2 : i32
    %add3A = arith.constant 144 : i32
    %add3A_4 = arith.addi %add3A, %mul3A_3 : i32
    %select_n3A = arith.select %eq3A_0, %mul3A_1, %add3A_4 : i32
    %eq3A_5 = arith.constant 0 : i32
    %eq3A_6 = arith.cmpi eq, %arg0, %eq3A_5 : i32
    %jit3A = arith.constant 9 : i32
    %jit3A_7 = arith.constant 1 : i32
    %select_n3A_8 = arith.select %eq3A_6, %jit3A, %jit3A_7 : i32
    %mul3A_9 = arith.constant 640 : i32
    %mul3A_10 = arith.muli %arg1, %mul3A_9 : i32
    %mul3A_11 = arith.constant 640 : i32
    %mul3A_12 = arith.muli %arg1, %mul3A_11 : i32
    "tpu.region"() ({
      %run_scoped3A = tpu.sem_alloc : memref<!tpu.dma_semaphore, #tpu.memory_space<semaphore_mem>>
      %dma_start3A = arith.constant 0 : i32
      %dma_start3A_32 = tpu.memref_slice %arg11[%mul3A_12, %dma_start3A] : memref<10240x128xf32, #tpu.memory_space<vmem_shared>> -> memref<640x128xf32, #tpu.memory_space<vmem_shared>>
      %dma_start3A_33 = arith.constant 0 : i32
      %dma_start3A_34 = tpu.memref_slice %arg5[%mul3A_10, %dma_start3A_33] : memref<10240x128xf32, #tpu.memory_space<hbm>> -> memref<640x128xf32, #tpu.memory_space<hbm>>
      tpu.enqueue_dma source(%dma_start3A_34 : memref<640x128xf32, #tpu.memory_space<hbm>>) target(%dma_start3A_32 : memref<640x128xf32, #tpu.memory_space<vmem_shared>>) target_semaphore(%run_scoped3A : memref<!tpu.dma_semaphore, #tpu.memory_space<semaphore_mem>>)
      %dma_wait3A = arith.constant 0 : i32
      %dma_wait3A_35 = tpu.memref_slice %arg11[%mul3A_12, %dma_wait3A] : memref<10240x128xf32, #tpu.memory_space<vmem_shared>> -> memref<640x128xf32, #tpu.memory_space<vmem_shared>>
      %dma_wait3A_36 = arith.constant 0 : i32
      %dma_wait3A_37 = tpu.memref_slice %arg5[%mul3A_10, %dma_wait3A_36] : memref<10240x128xf32, #tpu.memory_space<hbm>> -> memref<640x128xf32, #tpu.memory_space<hbm>>
      tpu.wait_dma2 semaphore(%run_scoped3A : memref<!tpu.dma_semaphore, #tpu.memory_space<semaphore_mem>>) src(%dma_wait3A_37 : memref<640x128xf32, #tpu.memory_space<hbm>>) dst(%dma_wait3A_35 : memref<640x128xf32, #tpu.memory_space<vmem_shared>>)
      tpu.yield
    }) : () -> ()
    %barrier3A = arith.constant 0 : index
    tpu.barrier barrier_id(%barrier3A)
    %while3A = arith.constant 0 : i32
    %while3A_13 = arith.constant 0 : i32
    %while3A_14 = arith.subi %select_n3A_8, %while3A : i32
    %while3A_15 = arith.addi %while3A, %while3A_14 : i32
    %while3A_16 = arith.constant 1 : i32
    %while3A_17 = arith.divsi %while3A_14, %while3A_16 : i32
    %while3A_18 = arith.muli %while3A_17, %while3A_16 : i32
    %while3A_19 = arith.addi %while3A, %while3A_18 : i32
    %while3A_20 = arith.constant 1 : i32
    %while3A_21 = scf.for %while3A_32 = %while3A to %while3A_19 step %while3A_20 iter_args(%while3A_33 = %while3A_13) -> (i32)  : i32 {
      %add3A_34 = arith.addi %select_n3A, %while3A_32 : i32
      "tpu.region"() ({
        %run_scoped3A = tpu.sem_alloc : memref<!tpu.dma_semaphore, #tpu.memory_space<semaphore_mem>>
        %dma_start3A_48 = arith.constant 0 : i32
        %dma_start3A_49 = arith.constant 0 : i32
        %dma_start3A_50 = tpu.memref_slice %arg3[%add3A_34, %dma_start3A_48, %dma_start3A_49] : memref<160x16x128xi32, #tpu.memory_space<hbm>> -> memref<1x16x128xi32, #tpu.memory_space<hbm>>
        %dma_start3A_51 = tpu.memref_squeeze %dma_start3A_50 : memref<1x16x128xi32, #tpu.memory_space<hbm>> -> memref<16x128xi32, #tpu.memory_space<hbm>>
        %dma_start3A_52 = arith.constant 0 : i32
        %dma_start3A_53 = arith.constant 0 : i32
        %dma_start3A_54 = tpu.memref_slice %arg3[%add3A_34, %dma_start3A_52, %dma_start3A_53] : memref<160x16x128xi32, #tpu.memory_space<hbm>> -> memref<1x16x128xi32, #tpu.memory_space<hbm>>
        %dma_start3A_55 = tpu.memref_squeeze %dma_start3A_54 : memref<1x16x128xi32, #tpu.memory_space<hbm>> -> memref<16x128xi32, #tpu.memory_space<hbm>>
        tpu.enqueue_dma source(%dma_start3A_55 : memref<16x128xi32, #tpu.memory_space<hbm>>) target(%arg7 : memref<16x128xi32, #tpu.memory_space<vmem>>) target_semaphore(%run_scoped3A : memref<!tpu.dma_semaphore, #tpu.memory_space<semaphore_mem>>)
        %dma_wait3A = arith.constant 0 : i32
        %dma_wait3A_56 = arith.constant 0 : i32
        %dma_wait3A_57 = tpu.memref_slice %arg3[%add3A_34, %dma_wait3A, %dma_wait3A_56] : memref<160x16x128xi32, #tpu.memory_space<hbm>> -> memref<1x16x128xi32, #tpu.memory_space<hbm>>
        %dma_wait3A_58 = tpu.memref_squeeze %dma_wait3A_57 : memref<1x16x128xi32, #tpu.memory_space<hbm>> -> memref<16x128xi32, #tpu.memory_space<hbm>>
        %dma_wait3A_59 = arith.constant 0 : i32
        %dma_wait3A_60 = arith.constant 0 : i32
        %dma_wait3A_61 = tpu.memref_slice %arg3[%add3A_34, %dma_wait3A_59, %dma_wait3A_60] : memref<160x16x128xi32, #tpu.memory_space<hbm>> -> memref<1x16x128xi32, #tpu.memory_space<hbm>>
        %dma_wait3A_62 = tpu.memref_squeeze %dma_wait3A_61 : memref<1x16x128xi32, #tpu.memory_space<hbm>> -> memref<16x128xi32, #tpu.memory_space<hbm>>
        tpu.wait_dma2 semaphore(%run_scoped3A : memref<!tpu.dma_semaphore, #tpu.memory_space<semaphore_mem>>) src(%dma_wait3A_62 : memref<16x128xi32, #tpu.memory_space<hbm>>) dst(%arg7 : memref<16x128xi32, #tpu.memory_space<vmem>>)
        tpu.yield
      }) : () -> ()
      "tpu.region"() ({
        %run_scoped3A = tpu.sem_alloc : memref<!tpu.dma_semaphore, #tpu.memory_space<semaphore_mem>>
        %dma_start3A_48 = arith.constant 0 : i32
        %dma_start3A_49 = arith.constant 0 : i32
        %dma_start3A_50 = tpu.memref_slice %arg4[%add3A_34, %dma_start3A_48, %dma_start3A_49] : memref<160x16x128xi32, #tpu.memory_space<hbm>> -> memref<1x16x128xi32, #tpu.memory_space<hbm>>
        %dma_start3A_51 = tpu.memref_squeeze %dma_start3A_50 : memref<1x16x128xi32, #tpu.memory_space<hbm>> -> memref<16x128xi32, #tpu.memory_space<hbm>>
        %dma_start3A_52 = arith.constant 0 : i32
        %dma_start3A_53 = arith.constant 0 : i32
        %dma_start3A_54 = tpu.memref_slice %arg4[%add3A_34, %dma_start3A_52, %dma_start3A_53] : memref<160x16x128xi32, #tpu.memory_space<hbm>> -> memref<1x16x128xi32, #tpu.memory_space<hbm>>
        %dma_start3A_55 = tpu.memref_squeeze %dma_start3A_54 : memref<1x16x128xi32, #tpu.memory_space<hbm>> -> memref<16x128xi32, #tpu.memory_space<hbm>>
        tpu.enqueue_dma source(%dma_start3A_55 : memref<16x128xi32, #tpu.memory_space<hbm>>) target(%arg8 : memref<16x128xi32, #tpu.memory_space<vmem>>) target_semaphore(%run_scoped3A : memref<!tpu.dma_semaphore, #tpu.memory_space<semaphore_mem>>)
        %dma_wait3A = arith.constant 0 : i32
        %dma_wait3A_56 = arith.constant 0 : i32
        %dma_wait3A_57 = tpu.memref_slice %arg4[%add3A_34, %dma_wait3A, %dma_wait3A_56] : memref<160x16x128xi32, #tpu.memory_space<hbm>> -> memref<1x16x128xi32, #tpu.memory_space<hbm>>
        %dma_wait3A_58 = tpu.memref_squeeze %dma_wait3A_57 : memref<1x16x128xi32, #tpu.memory_space<hbm>> -> memref<16x128xi32, #tpu.memory_space<hbm>>
        %dma_wait3A_59 = arith.constant 0 : i32
        %dma_wait3A_60 = arith.constant 0 : i32
        %dma_wait3A_61 = tpu.memref_slice %arg4[%add3A_34, %dma_wait3A_59, %dma_wait3A_60] : memref<160x16x128xi32, #tpu.memory_space<hbm>> -> memref<1x16x128xi32, #tpu.memory_space<hbm>>
        %dma_wait3A_62 = tpu.memref_squeeze %dma_wait3A_61 : memref<1x16x128xi32, #tpu.memory_space<hbm>> -> memref<16x128xi32, #tpu.memory_space<hbm>>
        tpu.wait_dma2 semaphore(%run_scoped3A : memref<!tpu.dma_semaphore, #tpu.memory_space<semaphore_mem>>) src(%dma_wait3A_62 : memref<16x128xi32, #tpu.memory_space<hbm>>) dst(%arg8 : memref<16x128xi32, #tpu.memory_space<vmem>>)
        tpu.yield
      }) : () -> ()
      %dma_start3A = arith.constant 0 : i32
      %dma_start3A_35 = arith.constant 0 : i32
      %dma_start3A_36 = tpu.memref_slice %arg7[%dma_start3A, %dma_start3A_35] : memref<16x128xi32, #tpu.memory_space<vmem>> -> memref<1x128xi32, #tpu.memory_space<vmem>>
      %dma_start3A_37 = tpu.memref_squeeze %dma_start3A_36 : memref<1x128xi32, #tpu.memory_space<vmem>> -> memref<128xi32, #tpu.memory_space<vmem>>
      %dma_start3A_38 = arith.constant 0 : i32
      %dma_start3A_39 = arith.constant 0 : i32
      %dma_start3A_40 = tpu.memref_slice %arg2[%dma_start3A_38, %dma_start3A_39] : memref<10000x128xf32, #tpu.memory_space<hbm>> -> memref<10000x128xf32, #tpu.memory_space<hbm>>
      tpu.enqueue_indirect_dma source(%dma_start3A_40 : memref<10000x128xf32, #tpu.memory_space<hbm>>) target(%arg9 : memref<128x128xf32, #tpu.memory_space<vmem>>) offsets(%dma_start3A_37 : memref<128xi32, #tpu.memory_space<vmem>>) semaphore(%arg12 : memref<!tpu.dma_semaphore, #tpu.memory_space<semaphore_mem>>)
      %scan3A = arith.constant 0 : i32
      %scan3A_41 = arith.constant 0 : i32
      %scan3A_42 = arith.constant 8 : i32
      %scan3A_43 = arith.addi %scan3A_41, %scan3A_42 : i32
      %scan3A_44 = arith.constant 1 : i32
      %scan3A_45 = scf.for %scan3A_48 = %scan3A_41 to %scan3A_43 step %scan3A_44 iter_args(%scan3A_49 = %scan3A) -> (i32)  : i32 {
        %mul3A_50 = arith.constant 2 : i32
        %mul3A_51 = arith.muli %scan3A_48, %mul3A_50 : i32
        %dma_wait3A = arith.constant 0 : i32
        %dma_wait3A_52 = tpu.memref_slice %arg7[%mul3A_51, %dma_wait3A] : memref<16x128xi32, #tpu.memory_space<vmem>> -> memref<1x128xi32, #tpu.memory_space<vmem>>
        %dma_wait3A_53 = tpu.memref_squeeze %dma_wait3A_52 : memref<1x128xi32, #tpu.memory_space<vmem>> -> memref<128xi32, #tpu.memory_space<vmem>>
        %dma_wait3A_54 = arith.constant 0 : i32
        %dma_wait3A_55 = arith.constant 0 : i32
        %dma_wait3A_56 = tpu.memref_slice %arg2[%dma_wait3A_54, %dma_wait3A_55] : memref<10000x128xf32, #tpu.memory_space<hbm>> -> memref<10000x128xf32, #tpu.memory_space<hbm>>
        tpu.wait_indirect_dma semaphore(%arg12 : memref<!tpu.dma_semaphore, #tpu.memory_space<semaphore_mem>>) src(%dma_wait3A_56 : memref<10000x128xf32, #tpu.memory_space<hbm>>) dst(%arg9 : memref<128x128xf32, #tpu.memory_space<vmem>>)
        %add3A_57 = arith.constant 1 : i32
        %add3A_58 = arith.addi %mul3A_51, %add3A_57 : i32
        %dma_start3A_59 = arith.constant 0 : i32
        %dma_start3A_60 = tpu.memref_slice %arg7[%add3A_58, %dma_start3A_59] : memref<16x128xi32, #tpu.memory_space<vmem>> -> memref<1x128xi32, #tpu.memory_space<vmem>>
        %dma_start3A_61 = tpu.memref_squeeze %dma_start3A_60 : memref<1x128xi32, #tpu.memory_space<vmem>> -> memref<128xi32, #tpu.memory_space<vmem>>
        %dma_start3A_62 = arith.constant 0 : i32
        %dma_start3A_63 = arith.constant 0 : i32
        %dma_start3A_64 = tpu.memref_slice %arg2[%dma_start3A_62, %dma_start3A_63] : memref<10000x128xf32, #tpu.memory_space<hbm>> -> memref<10000x128xf32, #tpu.memory_space<hbm>>
        tpu.enqueue_indirect_dma source(%dma_start3A_64 : memref<10000x128xf32, #tpu.memory_space<hbm>>) target(%arg10 : memref<128x128xf32, #tpu.memory_space<vmem>>) offsets(%dma_start3A_61 : memref<128xi32, #tpu.memory_space<vmem>>) semaphore(%arg13 : memref<!tpu.dma_semaphore, #tpu.memory_space<semaphore_mem>>)
        "tpu.region"() ({
          %run_scoped3A = tpu.sem_alloc : memref<!tpu.dma_semaphore, #tpu.memory_space<semaphore_mem>>
          %dma_start3A_78 = arith.constant 0 : i32
          %dma_start3A_79 = tpu.memref_slice %arg8[%mul3A_51, %dma_start3A_78] : memref<16x128xi32, #tpu.memory_space<vmem>> -> memref<1x128xi32, #tpu.memory_space<vmem>>
          %dma_start3A_80 = tpu.memref_squeeze %dma_start3A_79 : memref<1x128xi32, #tpu.memory_space<vmem>> -> memref<128xi32, #tpu.memory_space<vmem>>
          %dma_start3A_81 = arith.constant 0 : i32
          %dma_start3A_82 = arith.constant 0 : i32
          %dma_start3A_83 = tpu.memref_slice %arg11[%dma_start3A_81, %dma_start3A_82] : memref<10240x128xf32, #tpu.memory_space<vmem_shared>> -> memref<10240x128xf32, #tpu.memory_space<vmem_shared>>
          tpu.enqueue_indirect_dma source(%arg9 : memref<128x128xf32, #tpu.memory_space<vmem>>) target(%dma_start3A_83 : memref<10240x128xf32, #tpu.memory_space<vmem_shared>>) offsets(%dma_start3A_80 : memref<128xi32, #tpu.memory_space<vmem>>) semaphore(%run_scoped3A : memref<!tpu.dma_semaphore, #tpu.memory_space<semaphore_mem>>) {add = true}
          %dma_wait3A_84 = arith.constant 0 : i32
          %dma_wait3A_85 = tpu.memref_slice %arg8[%mul3A_51, %dma_wait3A_84] : memref<16x128xi32, #tpu.memory_space<vmem>> -> memref<1x128xi32, #tpu.memory_space<vmem>>
          %dma_wait3A_86 = tpu.memref_squeeze %dma_wait3A_85 : memref<1x128xi32, #tpu.memory_space<vmem>> -> memref<128xi32, #tpu.memory_space<vmem>>
          %dma_wait3A_87 = arith.constant 0 : i32
          %dma_wait3A_88 = arith.constant 0 : i32
          %dma_wait3A_89 = tpu.memref_slice %arg11[%dma_wait3A_87, %dma_wait3A_88] : memref<10240x128xf32, #tpu.memory_space<vmem_shared>> -> memref<10240x128xf32, #tpu.memory_space<vmem_shared>>
          tpu.wait_indirect_dma semaphore(%run_scoped3A : memref<!tpu.dma_semaphore, #tpu.memory_space<semaphore_mem>>) src(%arg9 : memref<128x128xf32, #tpu.memory_space<vmem>>) dst(%dma_wait3A_89 : memref<10240x128xf32, #tpu.memory_space<vmem_shared>>)
          tpu.yield
        }) : () -> ()
        %add3A_65 = arith.constant 1 : i32
        %add3A_66 = arith.addi %mul3A_51, %add3A_65 : i32
        %dma_wait3A_67 = arith.constant 0 : i32
        %dma_wait3A_68 = tpu.memref_slice %arg7[%add3A_66, %dma_wait3A_67] : memref<16x128xi32, #tpu.memory_space<vmem>> -> memref<1x128xi32, #tpu.memory_space<vmem>>
        %dma_wait3A_69 = tpu.memref_squeeze %dma_wait3A_68 : memref<1x128xi32, #tpu.memory_space<vmem>> -> memref<128xi32, #tpu.memory_space<vmem>>
        %dma_wait3A_70 = arith.constant 0 : i32
        %dma_wait3A_71 = arith.constant 0 : i32
        %dma_wait3A_72 = tpu.memref_slice %arg2[%dma_wait3A_70, %dma_wait3A_71] : memref<10000x128xf32, #tpu.memory_space<hbm>> -> memref<10000x128xf32, #tpu.memory_space<hbm>>
        tpu.wait_indirect_dma semaphore(%arg13 : memref<!tpu.dma_semaphore, #tpu.memory_space<semaphore_mem>>) src(%dma_wait3A_72 : memref<10000x128xf32, #tpu.memory_space<hbm>>) dst(%arg10 : memref<128x128xf32, #tpu.memory_space<vmem>>)
        %lt3A = arith.constant 7 : i32
        %lt3A_73 = arith.cmpi slt, %scan3A_48, %lt3A : i32
        %convert_element_type3A = arith.extui %lt3A_73 : i1 to i32
        %cond3A = arith.constant 0 : i32
        %cond3A_74 = arith.cmpi ne, %convert_element_type3A, %cond3A : i32
        scf.if %cond3A_74 {
          %add3A_78 = arith.constant 2 : i32
          %add3A_79 = arith.addi %mul3A_51, %add3A_78 : i32
          %dma_start3A_80 = arith.constant 0 : i32
          %dma_start3A_81 = tpu.memref_slice %arg7[%add3A_79, %dma_start3A_80] : memref<16x128xi32, #tpu.memory_space<vmem>> -> memref<1x128xi32, #tpu.memory_space<vmem>>
          %dma_start3A_82 = tpu.memref_squeeze %dma_start3A_81 : memref<1x128xi32, #tpu.memory_space<vmem>> -> memref<128xi32, #tpu.memory_space<vmem>>
          %dma_start3A_83 = arith.constant 0 : i32
          %dma_start3A_84 = arith.constant 0 : i32
          %dma_start3A_85 = tpu.memref_slice %arg2[%dma_start3A_83, %dma_start3A_84] : memref<10000x128xf32, #tpu.memory_space<hbm>> -> memref<10000x128xf32, #tpu.memory_space<hbm>>
          tpu.enqueue_indirect_dma source(%dma_start3A_85 : memref<10000x128xf32, #tpu.memory_space<hbm>>) target(%arg9 : memref<128x128xf32, #tpu.memory_space<vmem>>) offsets(%dma_start3A_82 : memref<128xi32, #tpu.memory_space<vmem>>) semaphore(%arg12 : memref<!tpu.dma_semaphore, #tpu.memory_space<semaphore_mem>>)
        } else {
        }
        %add3A_75 = arith.constant 1 : i32
        %add3A_76 = arith.addi %mul3A_51, %add3A_75 : i32
        "tpu.region"() ({
          %run_scoped3A = tpu.sem_alloc : memref<!tpu.dma_semaphore, #tpu.memory_space<semaphore_mem>>
          %dma_start3A_78 = arith.constant 0 : i32
          %dma_start3A_79 = tpu.memref_slice %arg8[%add3A_76, %dma_start3A_78] : memref<16x128xi32, #tpu.memory_space<vmem>> -> memref<1x128xi32, #tpu.memory_space<vmem>>
          %dma_start3A_80 = tpu.memref_squeeze %dma_start3A_79 : memref<1x128xi32, #tpu.memory_space<vmem>> -> memref<128xi32, #tpu.memory_space<vmem>>
          %dma_start3A_81 = arith.constant 0 : i32
          %dma_start3A_82 = arith.constant 0 : i32
          %dma_start3A_83 = tpu.memref_slice %arg11[%dma_start3A_81, %dma_start3A_82] : memref<10240x128xf32, #tpu.memory_space<vmem_shared>> -> memref<10240x128xf32, #tpu.memory_space<vmem_shared>>
          tpu.enqueue_indirect_dma source(%arg10 : memref<128x128xf32, #tpu.memory_space<vmem>>) target(%dma_start3A_83 : memref<10240x128xf32, #tpu.memory_space<vmem_shared>>) offsets(%dma_start3A_80 : memref<128xi32, #tpu.memory_space<vmem>>) semaphore(%run_scoped3A : memref<!tpu.dma_semaphore, #tpu.memory_space<semaphore_mem>>) {add = true}
          %dma_wait3A_84 = arith.constant 0 : i32
          %dma_wait3A_85 = tpu.memref_slice %arg8[%add3A_76, %dma_wait3A_84] : memref<16x128xi32, #tpu.memory_space<vmem>> -> memref<1x128xi32, #tpu.memory_space<vmem>>
          %dma_wait3A_86 = tpu.memref_squeeze %dma_wait3A_85 : memref<1x128xi32, #tpu.memory_space<vmem>> -> memref<128xi32, #tpu.memory_space<vmem>>
          %dma_wait3A_87 = arith.constant 0 : i32
          %dma_wait3A_88 = arith.constant 0 : i32
          %dma_wait3A_89 = tpu.memref_slice %arg11[%dma_wait3A_87, %dma_wait3A_88] : memref<10240x128xf32, #tpu.memory_space<vmem_shared>> -> memref<10240x128xf32, #tpu.memory_space<vmem_shared>>
          tpu.wait_indirect_dma semaphore(%run_scoped3A : memref<!tpu.dma_semaphore, #tpu.memory_space<semaphore_mem>>) src(%arg10 : memref<128x128xf32, #tpu.memory_space<vmem>>) dst(%dma_wait3A_89 : memref<10240x128xf32, #tpu.memory_space<vmem_shared>>)
          tpu.yield
        }) : () -> ()
        %scan3A_77 = arith.constant 0 : i32
        scf.yield %scan3A_77 : i32
      }
      %scan3A_46 = arith.constant 8 : i32
      %while3A_47 = arith.constant 0 : i32
      scf.yield %while3A_47 : i32
    }
    %while3A_22 = arith.constant 1 : i32
    %while3A_23 = scf.for %while3A_32 = %while3A_19 to %while3A_15 step %while3A_22 iter_args(%while3A_33 = %while3A_21) -> (i32)  : i32 {
      %add3A_34 = arith.addi %select_n3A, %while3A_32 : i32
      "tpu.region"() ({
        %run_scoped3A = tpu.sem_alloc : memref<!tpu.dma_semaphore, #tpu.memory_space<semaphore_mem>>
        %dma_start3A_48 = arith.constant 0 : i32
        %dma_start3A_49 = arith.constant 0 : i32
        %dma_start3A_50 = tpu.memref_slice %arg3[%add3A_34, %dma_start3A_48, %dma_start3A_49] : memref<160x16x128xi32, #tpu.memory_space<hbm>> -> memref<1x16x128xi32, #tpu.memory_space<hbm>>
        %dma_start3A_51 = tpu.memref_squeeze %dma_start3A_50 : memref<1x16x128xi32, #tpu.memory_space<hbm>> -> memref<16x128xi32, #tpu.memory_space<hbm>>
        %dma_start3A_52 = arith.constant 0 : i32
        %dma_start3A_53 = arith.constant 0 : i32
        %dma_start3A_54 = tpu.memref_slice %arg3[%add3A_34, %dma_start3A_52, %dma_start3A_53] : memref<160x16x128xi32, #tpu.memory_space<hbm>> -> memref<1x16x128xi32, #tpu.memory_space<hbm>>
        %dma_start3A_55 = tpu.memref_squeeze %dma_start3A_54 : memref<1x16x128xi32, #tpu.memory_space<hbm>> -> memref<16x128xi32, #tpu.memory_space<hbm>>
        tpu.enqueue_dma source(%dma_start3A_55 : memref<16x128xi32, #tpu.memory_space<hbm>>) target(%arg7 : memref<16x128xi32, #tpu.memory_space<vmem>>) target_semaphore(%run_scoped3A : memref<!tpu.dma_semaphore, #tpu.memory_space<semaphore_mem>>)
        %dma_wait3A = arith.constant 0 : i32
        %dma_wait3A_56 = arith.constant 0 : i32
        %dma_wait3A_57 = tpu.memref_slice %arg3[%add3A_34, %dma_wait3A, %dma_wait3A_56] : memref<160x16x128xi32, #tpu.memory_space<hbm>> -> memref<1x16x128xi32, #tpu.memory_space<hbm>>
        %dma_wait3A_58 = tpu.memref_squeeze %dma_wait3A_57 : memref<1x16x128xi32, #tpu.memory_space<hbm>> -> memref<16x128xi32, #tpu.memory_space<hbm>>
        %dma_wait3A_59 = arith.constant 0 : i32
        %dma_wait3A_60 = arith.constant 0 : i32
        %dma_wait3A_61 = tpu.memref_slice %arg3[%add3A_34, %dma_wait3A_59, %dma_wait3A_60] : memref<160x16x128xi32, #tpu.memory_space<hbm>> -> memref<1x16x128xi32, #tpu.memory_space<hbm>>
        %dma_wait3A_62 = tpu.memref_squeeze %dma_wait3A_61 : memref<1x16x128xi32, #tpu.memory_space<hbm>> -> memref<16x128xi32, #tpu.memory_space<hbm>>
        tpu.wait_dma2 semaphore(%run_scoped3A : memref<!tpu.dma_semaphore, #tpu.memory_space<semaphore_mem>>) src(%dma_wait3A_62 : memref<16x128xi32, #tpu.memory_space<hbm>>) dst(%arg7 : memref<16x128xi32, #tpu.memory_space<vmem>>)
        tpu.yield
      }) : () -> ()
      "tpu.region"() ({
        %run_scoped3A = tpu.sem_alloc : memref<!tpu.dma_semaphore, #tpu.memory_space<semaphore_mem>>
        %dma_start3A_48 = arith.constant 0 : i32
        %dma_start3A_49 = arith.constant 0 : i32
        %dma_start3A_50 = tpu.memref_slice %arg4[%add3A_34, %dma_start3A_48, %dma_start3A_49] : memref<160x16x128xi32, #tpu.memory_space<hbm>> -> memref<1x16x128xi32, #tpu.memory_space<hbm>>
        %dma_start3A_51 = tpu.memref_squeeze %dma_start3A_50 : memref<1x16x128xi32, #tpu.memory_space<hbm>> -> memref<16x128xi32, #tpu.memory_space<hbm>>
        %dma_start3A_52 = arith.constant 0 : i32
        %dma_start3A_53 = arith.constant 0 : i32
        %dma_start3A_54 = tpu.memref_slice %arg4[%add3A_34, %dma_start3A_52, %dma_start3A_53] : memref<160x16x128xi32, #tpu.memory_space<hbm>> -> memref<1x16x128xi32, #tpu.memory_space<hbm>>
        %dma_start3A_55 = tpu.memref_squeeze %dma_start3A_54 : memref<1x16x128xi32, #tpu.memory_space<hbm>> -> memref<16x128xi32, #tpu.memory_space<hbm>>
        tpu.enqueue_dma source(%dma_start3A_55 : memref<16x128xi32, #tpu.memory_space<hbm>>) target(%arg8 : memref<16x128xi32, #tpu.memory_space<vmem>>) target_semaphore(%run_scoped3A : memref<!tpu.dma_semaphore, #tpu.memory_space<semaphore_mem>>)
        %dma_wait3A = arith.constant 0 : i32
        %dma_wait3A_56 = arith.constant 0 : i32
        %dma_wait3A_57 = tpu.memref_slice %arg4[%add3A_34, %dma_wait3A, %dma_wait3A_56] : memref<160x16x128xi32, #tpu.memory_space<hbm>> -> memref<1x16x128xi32, #tpu.memory_space<hbm>>
        %dma_wait3A_58 = tpu.memref_squeeze %dma_wait3A_57 : memref<1x16x128xi32, #tpu.memory_space<hbm>> -> memref<16x128xi32, #tpu.memory_space<hbm>>
        %dma_wait3A_59 = arith.constant 0 : i32
        %dma_wait3A_60 = arith.constant 0 : i32
        %dma_wait3A_61 = tpu.memref_slice %arg4[%add3A_34, %dma_wait3A_59, %dma_wait3A_60] : memref<160x16x128xi32, #tpu.memory_space<hbm>> -> memref<1x16x128xi32, #tpu.memory_space<hbm>>
        %dma_wait3A_62 = tpu.memref_squeeze %dma_wait3A_61 : memref<1x16x128xi32, #tpu.memory_space<hbm>> -> memref<16x128xi32, #tpu.memory_space<hbm>>
        tpu.wait_dma2 semaphore(%run_scoped3A : memref<!tpu.dma_semaphore, #tpu.memory_space<semaphore_mem>>) src(%dma_wait3A_62 : memref<16x128xi32, #tpu.memory_space<hbm>>) dst(%arg8 : memref<16x128xi32, #tpu.memory_space<vmem>>)
        tpu.yield
      }) : () -> ()
      %dma_start3A = arith.constant 0 : i32
      %dma_start3A_35 = arith.constant 0 : i32
      %dma_start3A_36 = tpu.memref_slice %arg7[%dma_start3A, %dma_start3A_35] : memref<16x128xi32, #tpu.memory_space<vmem>> -> memref<1x128xi32, #tpu.memory_space<vmem>>
      %dma_start3A_37 = tpu.memref_squeeze %dma_start3A_36 : memref<1x128xi32, #tpu.memory_space<vmem>> -> memref<128xi32, #tpu.memory_space<vmem>>
      %dma_start3A_38 = arith.constant 0 : i32
      %dma_start3A_39 = arith.constant 0 : i32
      %dma_start3A_40 = tpu.memref_slice %arg2[%dma_start3A_38, %dma_start3A_39] : memref<10000x128xf32, #tpu.memory_space<hbm>> -> memref<10000x128xf32, #tpu.memory_space<hbm>>
      tpu.enqueue_indirect_dma source(%dma_start3A_40 : memref<10000x128xf32, #tpu.memory_space<hbm>>) target(%arg9 : memref<128x128xf32, #tpu.memory_space<vmem>>) offsets(%dma_start3A_37 : memref<128xi32, #tpu.memory_space<vmem>>) semaphore(%arg12 : memref<!tpu.dma_semaphore, #tpu.memory_space<semaphore_mem>>)
      %scan3A = arith.constant 0 : i32
      %scan3A_41 = arith.constant 0 : i32
      %scan3A_42 = arith.constant 8 : i32
      %scan3A_43 = arith.addi %scan3A_41, %scan3A_42 : i32
      %scan3A_44 = arith.constant 1 : i32
      %scan3A_45 = scf.for %scan3A_48 = %scan3A_41 to %scan3A_43 step %scan3A_44 iter_args(%scan3A_49 = %scan3A) -> (i32)  : i32 {
        %mul3A_50 = arith.constant 2 : i32
        %mul3A_51 = arith.muli %scan3A_48, %mul3A_50 : i32
        %dma_wait3A = arith.constant 0 : i32
        %dma_wait3A_52 = tpu.memref_slice %arg7[%mul3A_51, %dma_wait3A] : memref<16x128xi32, #tpu.memory_space<vmem>> -> memref<1x128xi32, #tpu.memory_space<vmem>>
        %dma_wait3A_53 = tpu.memref_squeeze %dma_wait3A_52 : memref<1x128xi32, #tpu.memory_space<vmem>> -> memref<128xi32, #tpu.memory_space<vmem>>
        %dma_wait3A_54 = arith.constant 0 : i32
        %dma_wait3A_55 = arith.constant 0 : i32
        %dma_wait3A_56 = tpu.memref_slice %arg2[%dma_wait3A_54, %dma_wait3A_55] : memref<10000x128xf32, #tpu.memory_space<hbm>> -> memref<10000x128xf32, #tpu.memory_space<hbm>>
        tpu.wait_indirect_dma semaphore(%arg12 : memref<!tpu.dma_semaphore, #tpu.memory_space<semaphore_mem>>) src(%dma_wait3A_56 : memref<10000x128xf32, #tpu.memory_space<hbm>>) dst(%arg9 : memref<128x128xf32, #tpu.memory_space<vmem>>)
        %add3A_57 = arith.constant 1 : i32
        %add3A_58 = arith.addi %mul3A_51, %add3A_57 : i32
        %dma_start3A_59 = arith.constant 0 : i32
        %dma_start3A_60 = tpu.memref_slice %arg7[%add3A_58, %dma_start3A_59] : memref<16x128xi32, #tpu.memory_space<vmem>> -> memref<1x128xi32, #tpu.memory_space<vmem>>
        %dma_start3A_61 = tpu.memref_squeeze %dma_start3A_60 : memref<1x128xi32, #tpu.memory_space<vmem>> -> memref<128xi32, #tpu.memory_space<vmem>>
        %dma_start3A_62 = arith.constant 0 : i32
        %dma_start3A_63 = arith.constant 0 : i32
        %dma_start3A_64 = tpu.memref_slice %arg2[%dma_start3A_62, %dma_start3A_63] : memref<10000x128xf32, #tpu.memory_space<hbm>> -> memref<10000x128xf32, #tpu.memory_space<hbm>>
        tpu.enqueue_indirect_dma source(%dma_start3A_64 : memref<10000x128xf32, #tpu.memory_space<hbm>>) target(%arg10 : memref<128x128xf32, #tpu.memory_space<vmem>>) offsets(%dma_start3A_61 : memref<128xi32, #tpu.memory_space<vmem>>) semaphore(%arg13 : memref<!tpu.dma_semaphore, #tpu.memory_space<semaphore_mem>>)
        "tpu.region"() ({
          %run_scoped3A = tpu.sem_alloc : memref<!tpu.dma_semaphore, #tpu.memory_space<semaphore_mem>>
          %dma_start3A_78 = arith.constant 0 : i32
          %dma_start3A_79 = tpu.memref_slice %arg8[%mul3A_51, %dma_start3A_78] : memref<16x128xi32, #tpu.memory_space<vmem>> -> memref<1x128xi32, #tpu.memory_space<vmem>>
          %dma_start3A_80 = tpu.memref_squeeze %dma_start3A_79 : memref<1x128xi32, #tpu.memory_space<vmem>> -> memref<128xi32, #tpu.memory_space<vmem>>
          %dma_start3A_81 = arith.constant 0 : i32
          %dma_start3A_82 = arith.constant 0 : i32
          %dma_start3A_83 = tpu.memref_slice %arg11[%dma_start3A_81, %dma_start3A_82] : memref<10240x128xf32, #tpu.memory_space<vmem_shared>> -> memref<10240x128xf32, #tpu.memory_space<vmem_shared>>
          tpu.enqueue_indirect_dma source(%arg9 : memref<128x128xf32, #tpu.memory_space<vmem>>) target(%dma_start3A_83 : memref<10240x128xf32, #tpu.memory_space<vmem_shared>>) offsets(%dma_start3A_80 : memref<128xi32, #tpu.memory_space<vmem>>) semaphore(%run_scoped3A : memref<!tpu.dma_semaphore, #tpu.memory_space<semaphore_mem>>) {add = true}
          %dma_wait3A_84 = arith.constant 0 : i32
          %dma_wait3A_85 = tpu.memref_slice %arg8[%mul3A_51, %dma_wait3A_84] : memref<16x128xi32, #tpu.memory_space<vmem>> -> memref<1x128xi32, #tpu.memory_space<vmem>>
          %dma_wait3A_86 = tpu.memref_squeeze %dma_wait3A_85 : memref<1x128xi32, #tpu.memory_space<vmem>> -> memref<128xi32, #tpu.memory_space<vmem>>
          %dma_wait3A_87 = arith.constant 0 : i32
          %dma_wait3A_88 = arith.constant 0 : i32
          %dma_wait3A_89 = tpu.memref_slice %arg11[%dma_wait3A_87, %dma_wait3A_88] : memref<10240x128xf32, #tpu.memory_space<vmem_shared>> -> memref<10240x128xf32, #tpu.memory_space<vmem_shared>>
          tpu.wait_indirect_dma semaphore(%run_scoped3A : memref<!tpu.dma_semaphore, #tpu.memory_space<semaphore_mem>>) src(%arg9 : memref<128x128xf32, #tpu.memory_space<vmem>>) dst(%dma_wait3A_89 : memref<10240x128xf32, #tpu.memory_space<vmem_shared>>)
          tpu.yield
        }) : () -> ()
        %add3A_65 = arith.constant 1 : i32
        %add3A_66 = arith.addi %mul3A_51, %add3A_65 : i32
        %dma_wait3A_67 = arith.constant 0 : i32
        %dma_wait3A_68 = tpu.memref_slice %arg7[%add3A_66, %dma_wait3A_67] : memref<16x128xi32, #tpu.memory_space<vmem>> -> memref<1x128xi32, #tpu.memory_space<vmem>>
        %dma_wait3A_69 = tpu.memref_squeeze %dma_wait3A_68 : memref<1x128xi32, #tpu.memory_space<vmem>> -> memref<128xi32, #tpu.memory_space<vmem>>
        %dma_wait3A_70 = arith.constant 0 : i32
        %dma_wait3A_71 = arith.constant 0 : i32
        %dma_wait3A_72 = tpu.memref_slice %arg2[%dma_wait3A_70, %dma_wait3A_71] : memref<10000x128xf32, #tpu.memory_space<hbm>> -> memref<10000x128xf32, #tpu.memory_space<hbm>>
        tpu.wait_indirect_dma semaphore(%arg13 : memref<!tpu.dma_semaphore, #tpu.memory_space<semaphore_mem>>) src(%dma_wait3A_72 : memref<10000x128xf32, #tpu.memory_space<hbm>>) dst(%arg10 : memref<128x128xf32, #tpu.memory_space<vmem>>)
        %lt3A = arith.constant 7 : i32
        %lt3A_73 = arith.cmpi slt, %scan3A_48, %lt3A : i32
        %convert_element_type3A = arith.extui %lt3A_73 : i1 to i32
        %cond3A = arith.constant 0 : i32
        %cond3A_74 = arith.cmpi ne, %convert_element_type3A, %cond3A : i32
        scf.if %cond3A_74 {
          %add3A_78 = arith.constant 2 : i32
          %add3A_79 = arith.addi %mul3A_51, %add3A_78 : i32
          %dma_start3A_80 = arith.constant 0 : i32
          %dma_start3A_81 = tpu.memref_slice %arg7[%add3A_79, %dma_start3A_80] : memref<16x128xi32, #tpu.memory_space<vmem>> -> memref<1x128xi32, #tpu.memory_space<vmem>>
          %dma_start3A_82 = tpu.memref_squeeze %dma_start3A_81 : memref<1x128xi32, #tpu.memory_space<vmem>> -> memref<128xi32, #tpu.memory_space<vmem>>
          %dma_start3A_83 = arith.constant 0 : i32
          %dma_start3A_84 = arith.constant 0 : i32
          %dma_start3A_85 = tpu.memref_slice %arg2[%dma_start3A_83, %dma_start3A_84] : memref<10000x128xf32, #tpu.memory_space<hbm>> -> memref<10000x128xf32, #tpu.memory_space<hbm>>
          tpu.enqueue_indirect_dma source(%dma_start3A_85 : memref<10000x128xf32, #tpu.memory_space<hbm>>) target(%arg9 : memref<128x128xf32, #tpu.memory_space<vmem>>) offsets(%dma_start3A_82 : memref<128xi32, #tpu.memory_space<vmem>>) semaphore(%arg12 : memref<!tpu.dma_semaphore, #tpu.memory_space<semaphore_mem>>)
        } else {
        }
        %add3A_75 = arith.constant 1 : i32
        %add3A_76 = arith.addi %mul3A_51, %add3A_75 : i32
        "tpu.region"() ({
          %run_scoped3A = tpu.sem_alloc : memref<!tpu.dma_semaphore, #tpu.memory_space<semaphore_mem>>
          %dma_start3A_78 = arith.constant 0 : i32
          %dma_start3A_79 = tpu.memref_slice %arg8[%add3A_76, %dma_start3A_78] : memref<16x128xi32, #tpu.memory_space<vmem>> -> memref<1x128xi32, #tpu.memory_space<vmem>>
          %dma_start3A_80 = tpu.memref_squeeze %dma_start3A_79 : memref<1x128xi32, #tpu.memory_space<vmem>> -> memref<128xi32, #tpu.memory_space<vmem>>
          %dma_start3A_81 = arith.constant 0 : i32
          %dma_start3A_82 = arith.constant 0 : i32
          %dma_start3A_83 = tpu.memref_slice %arg11[%dma_start3A_81, %dma_start3A_82] : memref<10240x128xf32, #tpu.memory_space<vmem_shared>> -> memref<10240x128xf32, #tpu.memory_space<vmem_shared>>
          tpu.enqueue_indirect_dma source(%arg10 : memref<128x128xf32, #tpu.memory_space<vmem>>) target(%dma_start3A_83 : memref<10240x128xf32, #tpu.memory_space<vmem_shared>>) offsets(%dma_start3A_80 : memref<128xi32, #tpu.memory_space<vmem>>) semaphore(%run_scoped3A : memref<!tpu.dma_semaphore, #tpu.memory_space<semaphore_mem>>) {add = true}
          %dma_wait3A_84 = arith.constant 0 : i32
          %dma_wait3A_85 = tpu.memref_slice %arg8[%add3A_76, %dma_wait3A_84] : memref<16x128xi32, #tpu.memory_space<vmem>> -> memref<1x128xi32, #tpu.memory_space<vmem>>
          %dma_wait3A_86 = tpu.memref_squeeze %dma_wait3A_85 : memref<1x128xi32, #tpu.memory_space<vmem>> -> memref<128xi32, #tpu.memory_space<vmem>>
          %dma_wait3A_87 = arith.constant 0 : i32
          %dma_wait3A_88 = arith.constant 0 : i32
          %dma_wait3A_89 = tpu.memref_slice %arg11[%dma_wait3A_87, %dma_wait3A_88] : memref<10240x128xf32, #tpu.memory_space<vmem_shared>> -> memref<10240x128xf32, #tpu.memory_space<vmem_shared>>
          tpu.wait_indirect_dma semaphore(%run_scoped3A : memref<!tpu.dma_semaphore, #tpu.memory_space<semaphore_mem>>) src(%arg10 : memref<128x128xf32, #tpu.memory_space<vmem>>) dst(%dma_wait3A_89 : memref<10240x128xf32, #tpu.memory_space<vmem_shared>>)
          tpu.yield
        }) : () -> ()
        %scan3A_77 = arith.constant 0 : i32
        scf.yield %scan3A_77 : i32
      }
      %scan3A_46 = arith.constant 8 : i32
      %while3A_47 = arith.constant 0 : i32
      scf.yield %while3A_47 : i32
    }
    %barrier3A_24 = arith.constant 0 : index
    tpu.barrier barrier_id(%barrier3A_24)
    %mul3A_25 = arith.constant 640 : i32
    %mul3A_26 = arith.muli %arg1, %mul3A_25 : i32
    %mul3A_27 = arith.constant 10240 : i32
    %mul3A_28 = arith.muli %arg0, %mul3A_27 : i32
    %mul3A_29 = arith.constant 640 : i32
    %mul3A_30 = arith.muli %arg1, %mul3A_29 : i32
    %add3A_31 = arith.addi %mul3A_28, %mul3A_30 : i32
    "tpu.region"() ({
      %run_scoped3A = tpu.sem_alloc : memref<!tpu.dma_semaphore, #tpu.memory_space<semaphore_mem>>
      %dma_start3A = arith.constant 0 : i32
      %dma_start3A_32 = tpu.memref_slice %arg6[%add3A_31, %dma_start3A] : memref<20480x128xf32, #tpu.memory_space<hbm>> -> memref<640x128xf32, #tpu.memory_space<hbm>>
      %dma_start3A_33 = arith.constant 0 : i32
      %dma_start3A_34 = tpu.memref_slice %arg11[%mul3A_26, %dma_start3A_33] : memref<10240x128xf32, #tpu.memory_space<vmem_shared>> -> memref<640x128xf32, #tpu.memory_space<vmem_shared>>
      tpu.enqueue_dma source(%dma_start3A_34 : memref<640x128xf32, #tpu.memory_space<vmem_shared>>) target(%dma_start3A_32 : memref<640x128xf32, #tpu.memory_space<hbm>>) target_semaphore(%run_scoped3A : memref<!tpu.dma_semaphore, #tpu.memory_space<semaphore_mem>>)
      %dma_wait3A = arith.constant 0 : i32
      %dma_wait3A_35 = tpu.memref_slice %arg6[%add3A_31, %dma_wait3A] : memref<20480x128xf32, #tpu.memory_space<hbm>> -> memref<640x128xf32, #tpu.memory_space<hbm>>
      %dma_wait3A_36 = arith.constant 0 : i32
      %dma_wait3A_37 = tpu.memref_slice %arg11[%mul3A_26, %dma_wait3A_36] : memref<10240x128xf32, #tpu.memory_space<vmem_shared>> -> memref<640x128xf32, #tpu.memory_space<vmem_shared>>
      tpu.wait_dma2 semaphore(%run_scoped3A : memref<!tpu.dma_semaphore, #tpu.memory_space<semaphore_mem>>) src(%dma_wait3A_37 : memref<640x128xf32, #tpu.memory_space<vmem_shared>>) dst(%dma_wait3A_35 : memref<640x128xf32, #tpu.memory_space<hbm>>)
      tpu.yield
    }) : () -> ()
    return
  }
}

#map = affine_map<(d0, d1) -> (0, 0)>
#map1 = affine_map<(d0, d1) -> (0, 0, 0)>
module attributes {stable_mosaic.version = 14 : i64} {
  func.func @_agg_body(%arg0: i32, %arg1: i32, %arg2: memref<10000x128xf32, #tpu.memory_space<hbm>>, %arg3: memref<160x16x128xi32, #tpu.memory_space<hbm>>, %arg4: memref<160x16x128xi32, #tpu.memory_space<hbm>>, %arg5: memref<10240x128xf32, #tpu.memory_space<hbm>>, %arg6: memref<20480x128xf32, #tpu.memory_space<hbm>>, %arg7: memref<16x128xi32, #tpu.memory_space<vmem>>, %arg8: memref<16x128xi32, #tpu.memory_space<vmem>>, %arg9: memref<128x128xf32, #tpu.memory_space<vmem>>, %arg10: memref<128x128xf32, #tpu.memory_space<vmem>>, %arg11: memref<10240x128xf32, #tpu.memory_space<vmem_shared>>, %arg12: memref<!tpu.dma_semaphore, #tpu.memory_space<semaphore_mem>>, %arg13: memref<!tpu.dma_semaphore, #tpu.memory_space<semaphore_mem>>) attributes {dimension_semantics = [#tpu.dimension_semantics<core_parallel>, #tpu.dimension_semantics<subcore_parallel>], iteration_bounds = array<i64: 2, 16>, scalar_prefetch = 0 : i64, scratch_operands = 7 : i64, tpu.core_type = #tpu.core_type<sc_vector_subcore>, window_params = [{transform_indices = #map}, {transform_indices = #map1}, {transform_indices = #map1}, {transform_indices = #map}, {transform_indices = #map}]} {
    %eq3A = arith.constant 0 : i32
    %eq3A_0 = arith.cmpi eq, %arg0, %eq3A : i32
    %mul3A = arith.constant 9 : i32
    %mul3A_1 = arith.muli %arg1, %mul3A : i32
    %mul3A_2 = arith.constant 1 : i32
    %mul3A_3 = arith.muli %arg1, %mul3A_2 : i32
    %add3A = arith.constant 144 : i32
    %add3A_4 = arith.addi %add3A, %mul3A_3 : i32
    %select_n3A = arith.select %eq3A_0, %mul3A_1, %add3A_4 : i32
    %eq3A_5 = arith.constant 0 : i32
    %eq3A_6 = arith.cmpi eq, %arg0, %eq3A_5 : i32
    %jit3A = arith.constant 9 : i32
    %jit3A_7 = arith.constant 1 : i32
    %select_n3A_8 = arith.select %eq3A_6, %jit3A, %jit3A_7 : i32
    %mul3A_9 = arith.constant 640 : i32
    %mul3A_10 = arith.muli %arg1, %mul3A_9 : i32
    %mul3A_11 = arith.constant 640 : i32
    %mul3A_12 = arith.muli %arg1, %mul3A_11 : i32
    "tpu.region"() ({
      %run_scoped3A = tpu.sem_alloc : memref<!tpu.dma_semaphore, #tpu.memory_space<semaphore_mem>>
      %dma_start3A = arith.constant 0 : i32
      %dma_start3A_32 = tpu.memref_slice %arg11[%mul3A_12, %dma_start3A] : memref<10240x128xf32, #tpu.memory_space<vmem_shared>> -> memref<640x128xf32, #tpu.memory_space<vmem_shared>>
      %dma_start3A_33 = arith.constant 0 : i32
      %dma_start3A_34 = tpu.memref_slice %arg5[%mul3A_10, %dma_start3A_33] : memref<10240x128xf32, #tpu.memory_space<hbm>> -> memref<640x128xf32, #tpu.memory_space<hbm>>
      tpu.enqueue_dma source(%dma_start3A_34 : memref<640x128xf32, #tpu.memory_space<hbm>>) target(%dma_start3A_32 : memref<640x128xf32, #tpu.memory_space<vmem_shared>>) target_semaphore(%run_scoped3A : memref<!tpu.dma_semaphore, #tpu.memory_space<semaphore_mem>>)
      %dma_wait3A = arith.constant 0 : i32
      %dma_wait3A_35 = tpu.memref_slice %arg11[%mul3A_12, %dma_wait3A] : memref<10240x128xf32, #tpu.memory_space<vmem_shared>> -> memref<640x128xf32, #tpu.memory_space<vmem_shared>>
      %dma_wait3A_36 = arith.constant 0 : i32
      %dma_wait3A_37 = tpu.memref_slice %arg5[%mul3A_10, %dma_wait3A_36] : memref<10240x128xf32, #tpu.memory_space<hbm>> -> memref<640x128xf32, #tpu.memory_space<hbm>>
      tpu.wait_dma2 semaphore(%run_scoped3A : memref<!tpu.dma_semaphore, #tpu.memory_space<semaphore_mem>>) src(%dma_wait3A_37 : memref<640x128xf32, #tpu.memory_space<hbm>>) dst(%dma_wait3A_35 : memref<640x128xf32, #tpu.memory_space<vmem_shared>>)
      tpu.yield
    }) : () -> ()
    %barrier3A = arith.constant 0 : index
    tpu.barrier barrier_id(%barrier3A)
    %while3A = arith.constant 0 : i32
    %while3A_13 = arith.constant 0 : i32
    %while3A_14 = arith.subi %select_n3A_8, %while3A : i32
    %while3A_15 = arith.addi %while3A, %while3A_14 : i32
    %while3A_16 = arith.constant 1 : i32
    %while3A_17 = arith.divsi %while3A_14, %while3A_16 : i32
    %while3A_18 = arith.muli %while3A_17, %while3A_16 : i32
    %while3A_19 = arith.addi %while3A, %while3A_18 : i32
    %while3A_20 = arith.constant 1 : i32
    %while3A_21 = scf.for %while3A_32 = %while3A to %while3A_19 step %while3A_20 iter_args(%while3A_33 = %while3A_13) -> (i32)  : i32 {
      %add3A_34 = arith.addi %select_n3A, %while3A_32 : i32
      "tpu.region"() ({
        %run_scoped3A = tpu.sem_alloc : memref<!tpu.dma_semaphore, #tpu.memory_space<semaphore_mem>>
        %dma_start3A_48 = arith.constant 0 : i32
        %dma_start3A_49 = arith.constant 0 : i32
        %dma_start3A_50 = tpu.memref_slice %arg3[%add3A_34, %dma_start3A_48, %dma_start3A_49] : memref<160x16x128xi32, #tpu.memory_space<hbm>> -> memref<1x16x128xi32, #tpu.memory_space<hbm>>
        %dma_start3A_51 = tpu.memref_squeeze %dma_start3A_50 : memref<1x16x128xi32, #tpu.memory_space<hbm>> -> memref<16x128xi32, #tpu.memory_space<hbm>>
        %dma_start3A_52 = arith.constant 0 : i32
        %dma_start3A_53 = arith.constant 0 : i32
        %dma_start3A_54 = tpu.memref_slice %arg3[%add3A_34, %dma_start3A_52, %dma_start3A_53] : memref<160x16x128xi32, #tpu.memory_space<hbm>> -> memref<1x16x128xi32, #tpu.memory_space<hbm>>
        %dma_start3A_55 = tpu.memref_squeeze %dma_start3A_54 : memref<1x16x128xi32, #tpu.memory_space<hbm>> -> memref<16x128xi32, #tpu.memory_space<hbm>>
        tpu.enqueue_dma source(%dma_start3A_55 : memref<16x128xi32, #tpu.memory_space<hbm>>) target(%arg7 : memref<16x128xi32, #tpu.memory_space<vmem>>) target_semaphore(%run_scoped3A : memref<!tpu.dma_semaphore, #tpu.memory_space<semaphore_mem>>)
        %dma_wait3A = arith.constant 0 : i32
        %dma_wait3A_56 = arith.constant 0 : i32
        %dma_wait3A_57 = tpu.memref_slice %arg3[%add3A_34, %dma_wait3A, %dma_wait3A_56] : memref<160x16x128xi32, #tpu.memory_space<hbm>> -> memref<1x16x128xi32, #tpu.memory_space<hbm>>
        %dma_wait3A_58 = tpu.memref_squeeze %dma_wait3A_57 : memref<1x16x128xi32, #tpu.memory_space<hbm>> -> memref<16x128xi32, #tpu.memory_space<hbm>>
        %dma_wait3A_59 = arith.constant 0 : i32
        %dma_wait3A_60 = arith.constant 0 : i32
        %dma_wait3A_61 = tpu.memref_slice %arg3[%add3A_34, %dma_wait3A_59, %dma_wait3A_60] : memref<160x16x128xi32, #tpu.memory_space<hbm>> -> memref<1x16x128xi32, #tpu.memory_space<hbm>>
        %dma_wait3A_62 = tpu.memref_squeeze %dma_wait3A_61 : memref<1x16x128xi32, #tpu.memory_space<hbm>> -> memref<16x128xi32, #tpu.memory_space<hbm>>
        tpu.wait_dma2 semaphore(%run_scoped3A : memref<!tpu.dma_semaphore, #tpu.memory_space<semaphore_mem>>) src(%dma_wait3A_62 : memref<16x128xi32, #tpu.memory_space<hbm>>) dst(%arg7 : memref<16x128xi32, #tpu.memory_space<vmem>>)
        tpu.yield
      }) : () -> ()
      "tpu.region"() ({
        %run_scoped3A = tpu.sem_alloc : memref<!tpu.dma_semaphore, #tpu.memory_space<semaphore_mem>>
        %dma_start3A_48 = arith.constant 0 : i32
        %dma_start3A_49 = arith.constant 0 : i32
        %dma_start3A_50 = tpu.memref_slice %arg4[%add3A_34, %dma_start3A_48, %dma_start3A_49] : memref<160x16x128xi32, #tpu.memory_space<hbm>> -> memref<1x16x128xi32, #tpu.memory_space<hbm>>
        %dma_start3A_51 = tpu.memref_squeeze %dma_start3A_50 : memref<1x16x128xi32, #tpu.memory_space<hbm>> -> memref<16x128xi32, #tpu.memory_space<hbm>>
        %dma_start3A_52 = arith.constant 0 : i32
        %dma_start3A_53 = arith.constant 0 : i32
        %dma_start3A_54 = tpu.memref_slice %arg4[%add3A_34, %dma_start3A_52, %dma_start3A_53] : memref<160x16x128xi32, #tpu.memory_space<hbm>> -> memref<1x16x128xi32, #tpu.memory_space<hbm>>
        %dma_start3A_55 = tpu.memref_squeeze %dma_start3A_54 : memref<1x16x128xi32, #tpu.memory_space<hbm>> -> memref<16x128xi32, #tpu.memory_space<hbm>>
        tpu.enqueue_dma source(%dma_start3A_55 : memref<16x128xi32, #tpu.memory_space<hbm>>) target(%arg8 : memref<16x128xi32, #tpu.memory_space<vmem>>) target_semaphore(%run_scoped3A : memref<!tpu.dma_semaphore, #tpu.memory_space<semaphore_mem>>)
        %dma_wait3A = arith.constant 0 : i32
        %dma_wait3A_56 = arith.constant 0 : i32
        %dma_wait3A_57 = tpu.memref_slice %arg4[%add3A_34, %dma_wait3A, %dma_wait3A_56] : memref<160x16x128xi32, #tpu.memory_space<hbm>> -> memref<1x16x128xi32, #tpu.memory_space<hbm>>
        %dma_wait3A_58 = tpu.memref_squeeze %dma_wait3A_57 : memref<1x16x128xi32, #tpu.memory_space<hbm>> -> memref<16x128xi32, #tpu.memory_space<hbm>>
        %dma_wait3A_59 = arith.constant 0 : i32
        %dma_wait3A_60 = arith.constant 0 : i32
        %dma_wait3A_61 = tpu.memref_slice %arg4[%add3A_34, %dma_wait3A_59, %dma_wait3A_60] : memref<160x16x128xi32, #tpu.memory_space<hbm>> -> memref<1x16x128xi32, #tpu.memory_space<hbm>>
        %dma_wait3A_62 = tpu.memref_squeeze %dma_wait3A_61 : memref<1x16x128xi32, #tpu.memory_space<hbm>> -> memref<16x128xi32, #tpu.memory_space<hbm>>
        tpu.wait_dma2 semaphore(%run_scoped3A : memref<!tpu.dma_semaphore, #tpu.memory_space<semaphore_mem>>) src(%dma_wait3A_62 : memref<16x128xi32, #tpu.memory_space<hbm>>) dst(%arg8 : memref<16x128xi32, #tpu.memory_space<vmem>>)
        tpu.yield
      }) : () -> ()
      %dma_start3A = arith.constant 0 : i32
      %dma_start3A_35 = arith.constant 0 : i32
      %dma_start3A_36 = tpu.memref_slice %arg7[%dma_start3A, %dma_start3A_35] : memref<16x128xi32, #tpu.memory_space<vmem>> -> memref<1x128xi32, #tpu.memory_space<vmem>>
      %dma_start3A_37 = tpu.memref_squeeze %dma_start3A_36 : memref<1x128xi32, #tpu.memory_space<vmem>> -> memref<128xi32, #tpu.memory_space<vmem>>
      %dma_start3A_38 = arith.constant 0 : i32
      %dma_start3A_39 = arith.constant 0 : i32
      %dma_start3A_40 = tpu.memref_slice %arg2[%dma_start3A_38, %dma_start3A_39] : memref<10000x128xf32, #tpu.memory_space<hbm>> -> memref<10000x128xf32, #tpu.memory_space<hbm>>
      tpu.enqueue_indirect_dma source(%dma_start3A_40 : memref<10000x128xf32, #tpu.memory_space<hbm>>) target(%arg9 : memref<128x128xf32, #tpu.memory_space<vmem>>) offsets(%dma_start3A_37 : memref<128xi32, #tpu.memory_space<vmem>>) semaphore(%arg12 : memref<!tpu.dma_semaphore, #tpu.memory_space<semaphore_mem>>)
      %scan3A = arith.constant 0 : i32
      %scan3A_41 = arith.constant 0 : i32
      %scan3A_42 = arith.constant 8 : i32
      %scan3A_43 = arith.addi %scan3A_41, %scan3A_42 : i32
      %scan3A_44 = arith.constant 1 : i32
      %scan3A_45 = scf.for %scan3A_48 = %scan3A_41 to %scan3A_43 step %scan3A_44 iter_args(%scan3A_49 = %scan3A) -> (i32)  : i32 {
        %mul3A_50 = arith.constant 2 : i32
        %mul3A_51 = arith.muli %scan3A_48, %mul3A_50 : i32
        %dma_wait3A = arith.constant 0 : i32
        %dma_wait3A_52 = tpu.memref_slice %arg7[%mul3A_51, %dma_wait3A] : memref<16x128xi32, #tpu.memory_space<vmem>> -> memref<1x128xi32, #tpu.memory_space<vmem>>
        %dma_wait3A_53 = tpu.memref_squeeze %dma_wait3A_52 : memref<1x128xi32, #tpu.memory_space<vmem>> -> memref<128xi32, #tpu.memory_space<vmem>>
        %dma_wait3A_54 = arith.constant 0 : i32
        %dma_wait3A_55 = arith.constant 0 : i32
        %dma_wait3A_56 = tpu.memref_slice %arg2[%dma_wait3A_54, %dma_wait3A_55] : memref<10000x128xf32, #tpu.memory_space<hbm>> -> memref<10000x128xf32, #tpu.memory_space<hbm>>
        tpu.wait_indirect_dma semaphore(%arg12 : memref<!tpu.dma_semaphore, #tpu.memory_space<semaphore_mem>>) src(%dma_wait3A_56 : memref<10000x128xf32, #tpu.memory_space<hbm>>) dst(%arg9 : memref<128x128xf32, #tpu.memory_space<vmem>>)
        %add3A_57 = arith.constant 1 : i32
        %add3A_58 = arith.addi %mul3A_51, %add3A_57 : i32
        %dma_start3A_59 = arith.constant 0 : i32
        %dma_start3A_60 = tpu.memref_slice %arg7[%add3A_58, %dma_start3A_59] : memref<16x128xi32, #tpu.memory_space<vmem>> -> memref<1x128xi32, #tpu.memory_space<vmem>>
        %dma_start3A_61 = tpu.memref_squeeze %dma_start3A_60 : memref<1x128xi32, #tpu.memory_space<vmem>> -> memref<128xi32, #tpu.memory_space<vmem>>
        %dma_start3A_62 = arith.constant 0 : i32
        %dma_start3A_63 = arith.constant 0 : i32
        %dma_start3A_64 = tpu.memref_slice %arg2[%dma_start3A_62, %dma_start3A_63] : memref<10000x128xf32, #tpu.memory_space<hbm>> -> memref<10000x128xf32, #tpu.memory_space<hbm>>
        tpu.enqueue_indirect_dma source(%dma_start3A_64 : memref<10000x128xf32, #tpu.memory_space<hbm>>) target(%arg10 : memref<128x128xf32, #tpu.memory_space<vmem>>) offsets(%dma_start3A_61 : memref<128xi32, #tpu.memory_space<vmem>>) semaphore(%arg13 : memref<!tpu.dma_semaphore, #tpu.memory_space<semaphore_mem>>)
        "tpu.region"() ({
          %run_scoped3A = tpu.sem_alloc : memref<!tpu.dma_semaphore, #tpu.memory_space<semaphore_mem>>
          %dma_start3A_78 = arith.constant 0 : i32
          %dma_start3A_79 = tpu.memref_slice %arg8[%mul3A_51, %dma_start3A_78] : memref<16x128xi32, #tpu.memory_space<vmem>> -> memref<1x128xi32, #tpu.memory_space<vmem>>
          %dma_start3A_80 = tpu.memref_squeeze %dma_start3A_79 : memref<1x128xi32, #tpu.memory_space<vmem>> -> memref<128xi32, #tpu.memory_space<vmem>>
          %dma_start3A_81 = arith.constant 0 : i32
          %dma_start3A_82 = arith.constant 0 : i32
          %dma_start3A_83 = tpu.memref_slice %arg11[%dma_start3A_81, %dma_start3A_82] : memref<10240x128xf32, #tpu.memory_space<vmem_shared>> -> memref<10240x128xf32, #tpu.memory_space<vmem_shared>>
          tpu.enqueue_indirect_dma source(%arg9 : memref<128x128xf32, #tpu.memory_space<vmem>>) target(%dma_start3A_83 : memref<10240x128xf32, #tpu.memory_space<vmem_shared>>) offsets(%dma_start3A_80 : memref<128xi32, #tpu.memory_space<vmem>>) semaphore(%run_scoped3A : memref<!tpu.dma_semaphore, #tpu.memory_space<semaphore_mem>>) {add = true}
          %dma_wait3A_84 = arith.constant 0 : i32
          %dma_wait3A_85 = tpu.memref_slice %arg8[%mul3A_51, %dma_wait3A_84] : memref<16x128xi32, #tpu.memory_space<vmem>> -> memref<1x128xi32, #tpu.memory_space<vmem>>
          %dma_wait3A_86 = tpu.memref_squeeze %dma_wait3A_85 : memref<1x128xi32, #tpu.memory_space<vmem>> -> memref<128xi32, #tpu.memory_space<vmem>>
          %dma_wait3A_87 = arith.constant 0 : i32
          %dma_wait3A_88 = arith.constant 0 : i32
          %dma_wait3A_89 = tpu.memref_slice %arg11[%dma_wait3A_87, %dma_wait3A_88] : memref<10240x128xf32, #tpu.memory_space<vmem_shared>> -> memref<10240x128xf32, #tpu.memory_space<vmem_shared>>
          tpu.wait_indirect_dma semaphore(%run_scoped3A : memref<!tpu.dma_semaphore, #tpu.memory_space<semaphore_mem>>) src(%arg9 : memref<128x128xf32, #tpu.memory_space<vmem>>) dst(%dma_wait3A_89 : memref<10240x128xf32, #tpu.memory_space<vmem_shared>>)
          tpu.yield
        }) : () -> ()
        %add3A_65 = arith.constant 1 : i32
        %add3A_66 = arith.addi %mul3A_51, %add3A_65 : i32
        %dma_wait3A_67 = arith.constant 0 : i32
        %dma_wait3A_68 = tpu.memref_slice %arg7[%add3A_66, %dma_wait3A_67] : memref<16x128xi32, #tpu.memory_space<vmem>> -> memref<1x128xi32, #tpu.memory_space<vmem>>
        %dma_wait3A_69 = tpu.memref_squeeze %dma_wait3A_68 : memref<1x128xi32, #tpu.memory_space<vmem>> -> memref<128xi32, #tpu.memory_space<vmem>>
        %dma_wait3A_70 = arith.constant 0 : i32
        %dma_wait3A_71 = arith.constant 0 : i32
        %dma_wait3A_72 = tpu.memref_slice %arg2[%dma_wait3A_70, %dma_wait3A_71] : memref<10000x128xf32, #tpu.memory_space<hbm>> -> memref<10000x128xf32, #tpu.memory_space<hbm>>
        tpu.wait_indirect_dma semaphore(%arg13 : memref<!tpu.dma_semaphore, #tpu.memory_space<semaphore_mem>>) src(%dma_wait3A_72 : memref<10000x128xf32, #tpu.memory_space<hbm>>) dst(%arg10 : memref<128x128xf32, #tpu.memory_space<vmem>>)
        %lt3A = arith.constant 7 : i32
        %lt3A_73 = arith.cmpi slt, %scan3A_48, %lt3A : i32
        %convert_element_type3A = arith.extui %lt3A_73 : i1 to i32
        %cond3A = arith.constant 0 : i32
        %cond3A_74 = arith.cmpi ne, %convert_element_type3A, %cond3A : i32
        scf.if %cond3A_74 {
          %add3A_78 = arith.constant 2 : i32
          %add3A_79 = arith.addi %mul3A_51, %add3A_78 : i32
          %dma_start3A_80 = arith.constant 0 : i32
          %dma_start3A_81 = tpu.memref_slice %arg7[%add3A_79, %dma_start3A_80] : memref<16x128xi32, #tpu.memory_space<vmem>> -> memref<1x128xi32, #tpu.memory_space<vmem>>
          %dma_start3A_82 = tpu.memref_squeeze %dma_start3A_81 : memref<1x128xi32, #tpu.memory_space<vmem>> -> memref<128xi32, #tpu.memory_space<vmem>>
          %dma_start3A_83 = arith.constant 0 : i32
          %dma_start3A_84 = arith.constant 0 : i32
          %dma_start3A_85 = tpu.memref_slice %arg2[%dma_start3A_83, %dma_start3A_84] : memref<10000x128xf32, #tpu.memory_space<hbm>> -> memref<10000x128xf32, #tpu.memory_space<hbm>>
          tpu.enqueue_indirect_dma source(%dma_start3A_85 : memref<10000x128xf32, #tpu.memory_space<hbm>>) target(%arg9 : memref<128x128xf32, #tpu.memory_space<vmem>>) offsets(%dma_start3A_82 : memref<128xi32, #tpu.memory_space<vmem>>) semaphore(%arg12 : memref<!tpu.dma_semaphore, #tpu.memory_space<semaphore_mem>>)
        } else {
        }
        %add3A_75 = arith.constant 1 : i32
        %add3A_76 = arith.addi %mul3A_51, %add3A_75 : i32
        "tpu.region"() ({
          %run_scoped3A = tpu.sem_alloc : memref<!tpu.dma_semaphore, #tpu.memory_space<semaphore_mem>>
          %dma_start3A_78 = arith.constant 0 : i32
          %dma_start3A_79 = tpu.memref_slice %arg8[%add3A_76, %dma_start3A_78] : memref<16x128xi32, #tpu.memory_space<vmem>> -> memref<1x128xi32, #tpu.memory_space<vmem>>
          %dma_start3A_80 = tpu.memref_squeeze %dma_start3A_79 : memref<1x128xi32, #tpu.memory_space<vmem>> -> memref<128xi32, #tpu.memory_space<vmem>>
          %dma_start3A_81 = arith.constant 0 : i32
          %dma_start3A_82 = arith.constant 0 : i32
          %dma_start3A_83 = tpu.memref_slice %arg11[%dma_start3A_81, %dma_start3A_82] : memref<10240x128xf32, #tpu.memory_space<vmem_shared>> -> memref<10240x128xf32, #tpu.memory_space<vmem_shared>>
          tpu.enqueue_indirect_dma source(%arg10 : memref<128x128xf32, #tpu.memory_space<vmem>>) target(%dma_start3A_83 : memref<10240x128xf32, #tpu.memory_space<vmem_shared>>) offsets(%dma_start3A_80 : memref<128xi32, #tpu.memory_space<vmem>>) semaphore(%run_scoped3A : memref<!tpu.dma_semaphore, #tpu.memory_space<semaphore_mem>>) {add = true}
          %dma_wait3A_84 = arith.constant 0 : i32
          %dma_wait3A_85 = tpu.memref_slice %arg8[%add3A_76, %dma_wait3A_84] : memref<16x128xi32, #tpu.memory_space<vmem>> -> memref<1x128xi32, #tpu.memory_space<vmem>>
          %dma_wait3A_86 = tpu.memref_squeeze %dma_wait3A_85 : memref<1x128xi32, #tpu.memory_space<vmem>> -> memref<128xi32, #tpu.memory_space<vmem>>
          %dma_wait3A_87 = arith.constant 0 : i32
          %dma_wait3A_88 = arith.constant 0 : i32
          %dma_wait3A_89 = tpu.memref_slice %arg11[%dma_wait3A_87, %dma_wait3A_88] : memref<10240x128xf32, #tpu.memory_space<vmem_shared>> -> memref<10240x128xf32, #tpu.memory_space<vmem_shared>>
          tpu.wait_indirect_dma semaphore(%run_scoped3A : memref<!tpu.dma_semaphore, #tpu.memory_space<semaphore_mem>>) src(%arg10 : memref<128x128xf32, #tpu.memory_space<vmem>>) dst(%dma_wait3A_89 : memref<10240x128xf32, #tpu.memory_space<vmem_shared>>)
          tpu.yield
        }) : () -> ()
        %scan3A_77 = arith.constant 0 : i32
        scf.yield %scan3A_77 : i32
      }
      %scan3A_46 = arith.constant 8 : i32
      %while3A_47 = arith.constant 0 : i32
      scf.yield %while3A_47 : i32
    }
    %while3A_22 = arith.constant 1 : i32
    %while3A_23 = scf.for %while3A_32 = %while3A_19 to %while3A_15 step %while3A_22 iter_args(%while3A_33 = %while3A_21) -> (i32)  : i32 {
      %add3A_34 = arith.addi %select_n3A, %while3A_32 : i32
      "tpu.region"() ({
        %run_scoped3A = tpu.sem_alloc : memref<!tpu.dma_semaphore, #tpu.memory_space<semaphore_mem>>
        %dma_start3A_48 = arith.constant 0 : i32
        %dma_start3A_49 = arith.constant 0 : i32
        %dma_start3A_50 = tpu.memref_slice %arg3[%add3A_34, %dma_start3A_48, %dma_start3A_49] : memref<160x16x128xi32, #tpu.memory_space<hbm>> -> memref<1x16x128xi32, #tpu.memory_space<hbm>>
        %dma_start3A_51 = tpu.memref_squeeze %dma_start3A_50 : memref<1x16x128xi32, #tpu.memory_space<hbm>> -> memref<16x128xi32, #tpu.memory_space<hbm>>
        %dma_start3A_52 = arith.constant 0 : i32
        %dma_start3A_53 = arith.constant 0 : i32
        %dma_start3A_54 = tpu.memref_slice %arg3[%add3A_34, %dma_start3A_52, %dma_start3A_53] : memref<160x16x128xi32, #tpu.memory_space<hbm>> -> memref<1x16x128xi32, #tpu.memory_space<hbm>>
        %dma_start3A_55 = tpu.memref_squeeze %dma_start3A_54 : memref<1x16x128xi32, #tpu.memory_space<hbm>> -> memref<16x128xi32, #tpu.memory_space<hbm>>
        tpu.enqueue_dma source(%dma_start3A_55 : memref<16x128xi32, #tpu.memory_space<hbm>>) target(%arg7 : memref<16x128xi32, #tpu.memory_space<vmem>>) target_semaphore(%run_scoped3A : memref<!tpu.dma_semaphore, #tpu.memory_space<semaphore_mem>>)
        %dma_wait3A = arith.constant 0 : i32
        %dma_wait3A_56 = arith.constant 0 : i32
        %dma_wait3A_57 = tpu.memref_slice %arg3[%add3A_34, %dma_wait3A, %dma_wait3A_56] : memref<160x16x128xi32, #tpu.memory_space<hbm>> -> memref<1x16x128xi32, #tpu.memory_space<hbm>>
        %dma_wait3A_58 = tpu.memref_squeeze %dma_wait3A_57 : memref<1x16x128xi32, #tpu.memory_space<hbm>> -> memref<16x128xi32, #tpu.memory_space<hbm>>
        %dma_wait3A_59 = arith.constant 0 : i32
        %dma_wait3A_60 = arith.constant 0 : i32
        %dma_wait3A_61 = tpu.memref_slice %arg3[%add3A_34, %dma_wait3A_59, %dma_wait3A_60] : memref<160x16x128xi32, #tpu.memory_space<hbm>> -> memref<1x16x128xi32, #tpu.memory_space<hbm>>
        %dma_wait3A_62 = tpu.memref_squeeze %dma_wait3A_61 : memref<1x16x128xi32, #tpu.memory_space<hbm>> -> memref<16x128xi32, #tpu.memory_space<hbm>>
        tpu.wait_dma2 semaphore(%run_scoped3A : memref<!tpu.dma_semaphore, #tpu.memory_space<semaphore_mem>>) src(%dma_wait3A_62 : memref<16x128xi32, #tpu.memory_space<hbm>>) dst(%arg7 : memref<16x128xi32, #tpu.memory_space<vmem>>)
        tpu.yield
      }) : () -> ()
      "tpu.region"() ({
        %run_scoped3A = tpu.sem_alloc : memref<!tpu.dma_semaphore, #tpu.memory_space<semaphore_mem>>
        %dma_start3A_48 = arith.constant 0 : i32
        %dma_start3A_49 = arith.constant 0 : i32
        %dma_start3A_50 = tpu.memref_slice %arg4[%add3A_34, %dma_start3A_48, %dma_start3A_49] : memref<160x16x128xi32, #tpu.memory_space<hbm>> -> memref<1x16x128xi32, #tpu.memory_space<hbm>>
        %dma_start3A_51 = tpu.memref_squeeze %dma_start3A_50 : memref<1x16x128xi32, #tpu.memory_space<hbm>> -> memref<16x128xi32, #tpu.memory_space<hbm>>
        %dma_start3A_52 = arith.constant 0 : i32
        %dma_start3A_53 = arith.constant 0 : i32
        %dma_start3A_54 = tpu.memref_slice %arg4[%add3A_34, %dma_start3A_52, %dma_start3A_53] : memref<160x16x128xi32, #tpu.memory_space<hbm>> -> memref<1x16x128xi32, #tpu.memory_space<hbm>>
        %dma_start3A_55 = tpu.memref_squeeze %dma_start3A_54 : memref<1x16x128xi32, #tpu.memory_space<hbm>> -> memref<16x128xi32, #tpu.memory_space<hbm>>
        tpu.enqueue_dma source(%dma_start3A_55 : memref<16x128xi32, #tpu.memory_space<hbm>>) target(%arg8 : memref<16x128xi32, #tpu.memory_space<vmem>>) target_semaphore(%run_scoped3A : memref<!tpu.dma_semaphore, #tpu.memory_space<semaphore_mem>>)
        %dma_wait3A = arith.constant 0 : i32
        %dma_wait3A_56 = arith.constant 0 : i32
        %dma_wait3A_57 = tpu.memref_slice %arg4[%add3A_34, %dma_wait3A, %dma_wait3A_56] : memref<160x16x128xi32, #tpu.memory_space<hbm>> -> memref<1x16x128xi32, #tpu.memory_space<hbm>>
        %dma_wait3A_58 = tpu.memref_squeeze %dma_wait3A_57 : memref<1x16x128xi32, #tpu.memory_space<hbm>> -> memref<16x128xi32, #tpu.memory_space<hbm>>
        %dma_wait3A_59 = arith.constant 0 : i32
        %dma_wait3A_60 = arith.constant 0 : i32
        %dma_wait3A_61 = tpu.memref_slice %arg4[%add3A_34, %dma_wait3A_59, %dma_wait3A_60] : memref<160x16x128xi32, #tpu.memory_space<hbm>> -> memref<1x16x128xi32, #tpu.memory_space<hbm>>
        %dma_wait3A_62 = tpu.memref_squeeze %dma_wait3A_61 : memref<1x16x128xi32, #tpu.memory_space<hbm>> -> memref<16x128xi32, #tpu.memory_space<hbm>>
        tpu.wait_dma2 semaphore(%run_scoped3A : memref<!tpu.dma_semaphore, #tpu.memory_space<semaphore_mem>>) src(%dma_wait3A_62 : memref<16x128xi32, #tpu.memory_space<hbm>>) dst(%arg8 : memref<16x128xi32, #tpu.memory_space<vmem>>)
        tpu.yield
      }) : () -> ()
      %dma_start3A = arith.constant 0 : i32
      %dma_start3A_35 = arith.constant 0 : i32
      %dma_start3A_36 = tpu.memref_slice %arg7[%dma_start3A, %dma_start3A_35] : memref<16x128xi32, #tpu.memory_space<vmem>> -> memref<1x128xi32, #tpu.memory_space<vmem>>
      %dma_start3A_37 = tpu.memref_squeeze %dma_start3A_36 : memref<1x128xi32, #tpu.memory_space<vmem>> -> memref<128xi32, #tpu.memory_space<vmem>>
      %dma_start3A_38 = arith.constant 0 : i32
      %dma_start3A_39 = arith.constant 0 : i32
      %dma_start3A_40 = tpu.memref_slice %arg2[%dma_start3A_38, %dma_start3A_39] : memref<10000x128xf32, #tpu.memory_space<hbm>> -> memref<10000x128xf32, #tpu.memory_space<hbm>>
      tpu.enqueue_indirect_dma source(%dma_start3A_40 : memref<10000x128xf32, #tpu.memory_space<hbm>>) target(%arg9 : memref<128x128xf32, #tpu.memory_space<vmem>>) offsets(%dma_start3A_37 : memref<128xi32, #tpu.memory_space<vmem>>) semaphore(%arg12 : memref<!tpu.dma_semaphore, #tpu.memory_space<semaphore_mem>>)
      %scan3A = arith.constant 0 : i32
      %scan3A_41 = arith.constant 0 : i32
      %scan3A_42 = arith.constant 8 : i32
      %scan3A_43 = arith.addi %scan3A_41, %scan3A_42 : i32
      %scan3A_44 = arith.constant 1 : i32
      %scan3A_45 = scf.for %scan3A_48 = %scan3A_41 to %scan3A_43 step %scan3A_44 iter_args(%scan3A_49 = %scan3A) -> (i32)  : i32 {
        %mul3A_50 = arith.constant 2 : i32
        %mul3A_51 = arith.muli %scan3A_48, %mul3A_50 : i32
        %dma_wait3A = arith.constant 0 : i32
        %dma_wait3A_52 = tpu.memref_slice %arg7[%mul3A_51, %dma_wait3A] : memref<16x128xi32, #tpu.memory_space<vmem>> -> memref<1x128xi32, #tpu.memory_space<vmem>>
        %dma_wait3A_53 = tpu.memref_squeeze %dma_wait3A_52 : memref<1x128xi32, #tpu.memory_space<vmem>> -> memref<128xi32, #tpu.memory_space<vmem>>
        %dma_wait3A_54 = arith.constant 0 : i32
        %dma_wait3A_55 = arith.constant 0 : i32
        %dma_wait3A_56 = tpu.memref_slice %arg2[%dma_wait3A_54, %dma_wait3A_55] : memref<10000x128xf32, #tpu.memory_space<hbm>> -> memref<10000x128xf32, #tpu.memory_space<hbm>>
        tpu.wait_indirect_dma semaphore(%arg12 : memref<!tpu.dma_semaphore, #tpu.memory_space<semaphore_mem>>) src(%dma_wait3A_56 : memref<10000x128xf32, #tpu.memory_space<hbm>>) dst(%arg9 : memref<128x128xf32, #tpu.memory_space<vmem>>)
        %add3A_57 = arith.constant 1 : i32
        %add3A_58 = arith.addi %mul3A_51, %add3A_57 : i32
        %dma_start3A_59 = arith.constant 0 : i32
        %dma_start3A_60 = tpu.memref_slice %arg7[%add3A_58, %dma_start3A_59] : memref<16x128xi32, #tpu.memory_space<vmem>> -> memref<1x128xi32, #tpu.memory_space<vmem>>
        %dma_start3A_61 = tpu.memref_squeeze %dma_start3A_60 : memref<1x128xi32, #tpu.memory_space<vmem>> -> memref<128xi32, #tpu.memory_space<vmem>>
        %dma_start3A_62 = arith.constant 0 : i32
        %dma_start3A_63 = arith.constant 0 : i32
        %dma_start3A_64 = tpu.memref_slice %arg2[%dma_start3A_62, %dma_start3A_63] : memref<10000x128xf32, #tpu.memory_space<hbm>> -> memref<10000x128xf32, #tpu.memory_space<hbm>>
        tpu.enqueue_indirect_dma source(%dma_start3A_64 : memref<10000x128xf32, #tpu.memory_space<hbm>>) target(%arg10 : memref<128x128xf32, #tpu.memory_space<vmem>>) offsets(%dma_start3A_61 : memref<128xi32, #tpu.memory_space<vmem>>) semaphore(%arg13 : memref<!tpu.dma_semaphore, #tpu.memory_space<semaphore_mem>>)
        "tpu.region"() ({
          %run_scoped3A = tpu.sem_alloc : memref<!tpu.dma_semaphore, #tpu.memory_space<semaphore_mem>>
          %dma_start3A_78 = arith.constant 0 : i32
          %dma_start3A_79 = tpu.memref_slice %arg8[%mul3A_51, %dma_start3A_78] : memref<16x128xi32, #tpu.memory_space<vmem>> -> memref<1x128xi32, #tpu.memory_space<vmem>>
          %dma_start3A_80 = tpu.memref_squeeze %dma_start3A_79 : memref<1x128xi32, #tpu.memory_space<vmem>> -> memref<128xi32, #tpu.memory_space<vmem>>
          %dma_start3A_81 = arith.constant 0 : i32
          %dma_start3A_82 = arith.constant 0 : i32
          %dma_start3A_83 = tpu.memref_slice %arg11[%dma_start3A_81, %dma_start3A_82] : memref<10240x128xf32, #tpu.memory_space<vmem_shared>> -> memref<10240x128xf32, #tpu.memory_space<vmem_shared>>
          tpu.enqueue_indirect_dma source(%arg9 : memref<128x128xf32, #tpu.memory_space<vmem>>) target(%dma_start3A_83 : memref<10240x128xf32, #tpu.memory_space<vmem_shared>>) offsets(%dma_start3A_80 : memref<128xi32, #tpu.memory_space<vmem>>) semaphore(%run_scoped3A : memref<!tpu.dma_semaphore, #tpu.memory_space<semaphore_mem>>) {add = true}
          %dma_wait3A_84 = arith.constant 0 : i32
          %dma_wait3A_85 = tpu.memref_slice %arg8[%mul3A_51, %dma_wait3A_84] : memref<16x128xi32, #tpu.memory_space<vmem>> -> memref<1x128xi32, #tpu.memory_space<vmem>>
          %dma_wait3A_86 = tpu.memref_squeeze %dma_wait3A_85 : memref<1x128xi32, #tpu.memory_space<vmem>> -> memref<128xi32, #tpu.memory_space<vmem>>
          %dma_wait3A_87 = arith.constant 0 : i32
          %dma_wait3A_88 = arith.constant 0 : i32
          %dma_wait3A_89 = tpu.memref_slice %arg11[%dma_wait3A_87, %dma_wait3A_88] : memref<10240x128xf32, #tpu.memory_space<vmem_shared>> -> memref<10240x128xf32, #tpu.memory_space<vmem_shared>>
          tpu.wait_indirect_dma semaphore(%run_scoped3A : memref<!tpu.dma_semaphore, #tpu.memory_space<semaphore_mem>>) src(%arg9 : memref<128x128xf32, #tpu.memory_space<vmem>>) dst(%dma_wait3A_89 : memref<10240x128xf32, #tpu.memory_space<vmem_shared>>)
          tpu.yield
        }) : () -> ()
        %add3A_65 = arith.constant 1 : i32
        %add3A_66 = arith.addi %mul3A_51, %add3A_65 : i32
        %dma_wait3A_67 = arith.constant 0 : i32
        %dma_wait3A_68 = tpu.memref_slice %arg7[%add3A_66, %dma_wait3A_67] : memref<16x128xi32, #tpu.memory_space<vmem>> -> memref<1x128xi32, #tpu.memory_space<vmem>>
        %dma_wait3A_69 = tpu.memref_squeeze %dma_wait3A_68 : memref<1x128xi32, #tpu.memory_space<vmem>> -> memref<128xi32, #tpu.memory_space<vmem>>
        %dma_wait3A_70 = arith.constant 0 : i32
        %dma_wait3A_71 = arith.constant 0 : i32
        %dma_wait3A_72 = tpu.memref_slice %arg2[%dma_wait3A_70, %dma_wait3A_71] : memref<10000x128xf32, #tpu.memory_space<hbm>> -> memref<10000x128xf32, #tpu.memory_space<hbm>>
        tpu.wait_indirect_dma semaphore(%arg13 : memref<!tpu.dma_semaphore, #tpu.memory_space<semaphore_mem>>) src(%dma_wait3A_72 : memref<10000x128xf32, #tpu.memory_space<hbm>>) dst(%arg10 : memref<128x128xf32, #tpu.memory_space<vmem>>)
        %lt3A = arith.constant 7 : i32
        %lt3A_73 = arith.cmpi slt, %scan3A_48, %lt3A : i32
        %convert_element_type3A = arith.extui %lt3A_73 : i1 to i32
        %cond3A = arith.constant 0 : i32
        %cond3A_74 = arith.cmpi ne, %convert_element_type3A, %cond3A : i32
        scf.if %cond3A_74 {
          %add3A_78 = arith.constant 2 : i32
          %add3A_79 = arith.addi %mul3A_51, %add3A_78 : i32
          %dma_start3A_80 = arith.constant 0 : i32
          %dma_start3A_81 = tpu.memref_slice %arg7[%add3A_79, %dma_start3A_80] : memref<16x128xi32, #tpu.memory_space<vmem>> -> memref<1x128xi32, #tpu.memory_space<vmem>>
          %dma_start3A_82 = tpu.memref_squeeze %dma_start3A_81 : memref<1x128xi32, #tpu.memory_space<vmem>> -> memref<128xi32, #tpu.memory_space<vmem>>
          %dma_start3A_83 = arith.constant 0 : i32
          %dma_start3A_84 = arith.constant 0 : i32
          %dma_start3A_85 = tpu.memref_slice %arg2[%dma_start3A_83, %dma_start3A_84] : memref<10000x128xf32, #tpu.memory_space<hbm>> -> memref<10000x128xf32, #tpu.memory_space<hbm>>
          tpu.enqueue_indirect_dma source(%dma_start3A_85 : memref<10000x128xf32, #tpu.memory_space<hbm>>) target(%arg9 : memref<128x128xf32, #tpu.memory_space<vmem>>) offsets(%dma_start3A_82 : memref<128xi32, #tpu.memory_space<vmem>>) semaphore(%arg12 : memref<!tpu.dma_semaphore, #tpu.memory_space<semaphore_mem>>)
        } else {
        }
        %add3A_75 = arith.constant 1 : i32
        %add3A_76 = arith.addi %mul3A_51, %add3A_75 : i32
        "tpu.region"() ({
          %run_scoped3A = tpu.sem_alloc : memref<!tpu.dma_semaphore, #tpu.memory_space<semaphore_mem>>
          %dma_start3A_78 = arith.constant 0 : i32
          %dma_start3A_79 = tpu.memref_slice %arg8[%add3A_76, %dma_start3A_78] : memref<16x128xi32, #tpu.memory_space<vmem>> -> memref<1x128xi32, #tpu.memory_space<vmem>>
          %dma_start3A_80 = tpu.memref_squeeze %dma_start3A_79 : memref<1x128xi32, #tpu.memory_space<vmem>> -> memref<128xi32, #tpu.memory_space<vmem>>
          %dma_start3A_81 = arith.constant 0 : i32
          %dma_start3A_82 = arith.constant 0 : i32
          %dma_start3A_83 = tpu.memref_slice %arg11[%dma_start3A_81, %dma_start3A_82] : memref<10240x128xf32, #tpu.memory_space<vmem_shared>> -> memref<10240x128xf32, #tpu.memory_space<vmem_shared>>
          tpu.enqueue_indirect_dma source(%arg10 : memref<128x128xf32, #tpu.memory_space<vmem>>) target(%dma_start3A_83 : memref<10240x128xf32, #tpu.memory_space<vmem_shared>>) offsets(%dma_start3A_80 : memref<128xi32, #tpu.memory_space<vmem>>) semaphore(%run_scoped3A : memref<!tpu.dma_semaphore, #tpu.memory_space<semaphore_mem>>) {add = true}
          %dma_wait3A_84 = arith.constant 0 : i32
          %dma_wait3A_85 = tpu.memref_slice %arg8[%add3A_76, %dma_wait3A_84] : memref<16x128xi32, #tpu.memory_space<vmem>> -> memref<1x128xi32, #tpu.memory_space<vmem>>
          %dma_wait3A_86 = tpu.memref_squeeze %dma_wait3A_85 : memref<1x128xi32, #tpu.memory_space<vmem>> -> memref<128xi32, #tpu.memory_space<vmem>>
          %dma_wait3A_87 = arith.constant 0 : i32
          %dma_wait3A_88 = arith.constant 0 : i32
          %dma_wait3A_89 = tpu.memref_slice %arg11[%dma_wait3A_87, %dma_wait3A_88] : memref<10240x128xf32, #tpu.memory_space<vmem_shared>> -> memref<10240x128xf32, #tpu.memory_space<vmem_shared>>
          tpu.wait_indirect_dma semaphore(%run_scoped3A : memref<!tpu.dma_semaphore, #tpu.memory_space<semaphore_mem>>) src(%arg10 : memref<128x128xf32, #tpu.memory_space<vmem>>) dst(%dma_wait3A_89 : memref<10240x128xf32, #tpu.memory_space<vmem_shared>>)
          tpu.yield
        }) : () -> ()
        %scan3A_77 = arith.constant 0 : i32
        scf.yield %scan3A_77 : i32
      }
      %scan3A_46 = arith.constant 8 : i32
      %while3A_47 = arith.constant 0 : i32
      scf.yield %while3A_47 : i32
    }
    %barrier3A_24 = arith.constant 0 : index
    tpu.barrier barrier_id(%barrier3A_24)
    %mul3A_25 = arith.constant 640 : i32
    %mul3A_26 = arith.muli %arg1, %mul3A_25 : i32
    %mul3A_27 = arith.constant 10240 : i32
    %mul3A_28 = arith.muli %arg0, %mul3A_27 : i32
    %mul3A_29 = arith.constant 640 : i32
    %mul3A_30 = arith.muli %arg1, %mul3A_29 : i32
    %add3A_31 = arith.addi %mul3A_28, %mul3A_30 : i32
    "tpu.region"() ({
      %run_scoped3A = tpu.sem_alloc : memref<!tpu.dma_semaphore, #tpu.memory_space<semaphore_mem>>
      %dma_start3A = arith.constant 0 : i32
      %dma_start3A_32 = tpu.memref_slice %arg6[%add3A_31, %dma_start3A] : memref<20480x128xf32, #tpu.memory_space<hbm>> -> memref<640x128xf32, #tpu.memory_space<hbm>>
      %dma_start3A_33 = arith.constant 0 : i32
      %dma_start3A_34 = tpu.memref_slice %arg11[%mul3A_26, %dma_start3A_33] : memref<10240x128xf32, #tpu.memory_space<vmem_shared>> -> memref<640x128xf32, #tpu.memory_space<vmem_shared>>
      tpu.enqueue_dma source(%dma_start3A_34 : memref<640x128xf32, #tpu.memory_space<vmem_shared>>) target(%dma_start3A_32 : memref<640x128xf32, #tpu.memory_space<hbm>>) target_semaphore(%run_scoped3A : memref<!tpu.dma_semaphore, #tpu.memory_space<semaphore_mem>>)
      %dma_wait3A = arith.constant 0 : i32
      %dma_wait3A_35 = tpu.memref_slice %arg6[%add3A_31, %dma_wait3A] : memref<20480x128xf32, #tpu.memory_space<hbm>> -> memref<640x128xf32, #tpu.memory_space<hbm>>
      %dma_wait3A_36 = arith.constant 0 : i32
      %dma_wait3A_37 = tpu.memref_slice %arg11[%mul3A_26, %dma_wait3A_36] : memref<10240x128xf32, #tpu.memory_space<vmem_shared>> -> memref<640x128xf32, #tpu.memory_space<vmem_shared>>
      tpu.wait_dma2 semaphore(%run_scoped3A : memref<!tpu.dma_semaphore, #tpu.memory_space<semaphore_mem>>) src(%dma_wait3A_37 : memref<640x128xf32, #tpu.memory_space<vmem_shared>>) dst(%dma_wait3A_35 : memref<640x128xf32, #tpu.memory_space<hbm>>)
      tpu.yield
    }) : () -> ()
    return
  }
}

module attributes {stable_mosaic.version = 14 : i64} {
  func.func @_scale_mm_body(%arg0: i32, %arg1: memref<1000x128xf32, #tpu.memory_space<vmem>>, %arg2: memref<128x128xf32, #tpu.memory_space<vmem>>, %arg3: memref<2x1000x1xf32, #tpu.memory_space<vmem>>, %arg4: memref<1000x128xf32, #tpu.memory_space<vmem>>) attributes {dimension_semantics = [#tpu.dimension_semantics<arbitrary>], iteration_bounds = array<i64: 10>, scalar_prefetch = 0 : i64, scratch_operands = 0 : i64, tpu.core_type = #tpu.core_type<tc>, window_params = [{transform_indices = @transform_0, window_bounds = array<i64: 1000, 128>}, {pipeline_mode = #tpu.pipeline_mode<synchronous>, transform_indices = @transform_1, window_bounds = array<i64: 128, 128>}, {transform_indices = @transform_2, window_bounds = array<i64: 2, 1000, 1>}, {transform_indices = @transform_3, window_bounds = array<i64: 1000, 128>}]} {
    %get3A = arith.constant 0 : index
    %get3A_0 = arith.constant 0 : index
    %get3A_1 = arith.constant 0 : index
    %get3A_2 = vector.load %arg3[%get3A, %get3A_0, %get3A_1] : memref<2x1000x1xf32, #tpu.memory_space<vmem>>, vector<1x1000x1xf32>
    %get3A_3 = vector.shape_cast %get3A_2 : vector<1x1000x1xf32> to vector<1000x1xf32>
    %add3A = arith.constant 1.000000e+00 : f32
    %add3A_4 = vector.broadcast %add3A : f32 to vector<1000x1xf32>
    %add3A_5 = arith.addf %add3A_4, %get3A_3 : vector<1000x1xf32>
    %get3A_6 = arith.constant 1 : index
    %get3A_7 = arith.constant 0 : index
    %get3A_8 = arith.constant 0 : index
    %get3A_9 = vector.load %arg3[%get3A_6, %get3A_7, %get3A_8] : memref<2x1000x1xf32, #tpu.memory_space<vmem>>, vector<1x1000x1xf32>
    %get3A_10 = vector.shape_cast %get3A_9 : vector<1x1000x1xf32> to vector<1000x1xf32>
    %add3A_11 = arith.addf %add3A_5, %get3A_10 : vector<1000x1xf32>
    %rsqrt3A = math.rsqrt %add3A_11 : vector<1000x1xf32>
    %get3A_12 = arith.constant 0 : index
    %get3A_13 = arith.constant 0 : index
    %get3A_14 = vector.load %arg1[%get3A_12, %get3A_13] : memref<1000x128xf32, #tpu.memory_space<vmem>>, vector<1000x128xf32>
    %get3A_15 = arith.constant 0 : index
    %get3A_16 = arith.constant 0 : index
    %get3A_17 = vector.load %arg2[%get3A_15, %get3A_16] : memref<128x128xf32, #tpu.memory_space<vmem>>, vector<128x128xf32>
    %dot_general3A = arith.constant dense<0.000000e+00> : vector<1000x128xf32>
    %dot_general3A_18 = tpu.matmul %get3A_14, %get3A_17, %dot_general3A {dimension_numbers = #tpu.dot_dimension_numbers<[1], [0], [0], [1], [0, 0, 1, 1], [], []>, transpose_lhs_hint = false} : vector<1000x128xf32>, vector<128x128xf32>, vector<1000x128xf32> -> vector<1000x128xf32>
    %mul3A = vector.broadcast %rsqrt3A : vector<1000x1xf32> to vector<1000x128xf32>
    %mul3A_19 = arith.mulf %dot_general3A_18, %mul3A : vector<1000x128xf32>
    %swap3A = arith.constant 0 : index
    %swap3A_20 = arith.constant 0 : index
    %swap3A_21 = vector.load %arg4[%swap3A, %swap3A_20] : memref<1000x128xf32, #tpu.memory_space<vmem>>, vector<1000x128xf32>
    tpu.vector_store %arg4[%swap3A, %swap3A_20], %mul3A_19 {strides = array<i32>} : memref<1000x128xf32, #tpu.memory_space<vmem>>, vector<1000x128xf32>,
    return
  }
  func.func @transform_0(%arg0: i32) -> (i32, i32) {
    %c0_i32 = arith.constant 0 : i32
    %c0_i32_0 = arith.constant 0 : i32
    return %arg0, %c0_i32 : i32, i32
  }
  func.func @transform_1(%arg0: i32) -> (i32, i32) {
    %c0_i32 = arith.constant 0 : i32
    %c0_i32_0 = arith.constant 0 : i32
    %c0_i32_1 = arith.constant 0 : i32
    return %c0_i32, %c0_i32_0 : i32, i32
  }
  func.func @transform_2(%arg0: i32) -> (i32, i32, i32) {
    %c0_i32 = arith.constant 0 : i32
    %c0_i32_0 = arith.constant 0 : i32
    %c0_i32_1 = arith.constant 0 : i32
    return %c0_i32, %arg0, %c0_i32_0 : i32, i32, i32
  }
  func.func @transform_3(%arg0: i32) -> (i32, i32) {
    %c0_i32 = arith.constant 0 : i32
    %c0_i32_0 = arith.constant 0 : i32
    return %arg0, %c0_i32 : i32, i32
  }
}

module attributes {stable_mosaic.version = 14 : i64} {
  func.func @_mid_body(%arg0: i32, %arg1: memref<1x1000x128xf32, #tpu.memory_space<vmem>>, %arg2: memref<1x1000x128xf32, #tpu.memory_space<vmem>>, %arg3: memref<1000x128xf32, #tpu.memory_space<vmem>>, %arg4: memref<2x1000x1xf32, #tpu.memory_space<vmem>>, %arg5: memref<128xf32, #tpu.memory_space<vmem>>, %arg6: memref<128x128xf32, #tpu.memory_space<vmem>>, %arg7: memref<1000x128xf32, #tpu.memory_space<vmem>>) attributes {dimension_semantics = [#tpu.dimension_semantics<arbitrary>], iteration_bounds = array<i64: 10>, scalar_prefetch = 0 : i64, scratch_operands = 0 : i64, tpu.core_type = #tpu.core_type<tc>, window_params = [{transform_indices = @transform_0, window_bounds = array<i64: 1, 1000, 128>}, {transform_indices = @transform_1, window_bounds = array<i64: 1, 1000, 128>}, {transform_indices = @transform_2, window_bounds = array<i64: 1000, 128>}, {transform_indices = @transform_3, window_bounds = array<i64: 2, 1000, 1>}, {pipeline_mode = #tpu.pipeline_mode<synchronous>, transform_indices = @transform_4, window_bounds = array<i64: 128>}, {pipeline_mode = #tpu.pipeline_mode<synchronous>, transform_indices = @transform_5, window_bounds = array<i64: 128, 128>}, {transform_indices = @transform_6, window_bounds = array<i64: 1000, 128>}]} {
    %get3A = arith.constant 0 : index
    %get3A_0 = arith.constant 0 : index
    %get3A_1 = arith.constant 0 : index
    %get3A_2 = vector.load %arg4[%get3A, %get3A_0, %get3A_1] : memref<2x1000x1xf32, #tpu.memory_space<vmem>>, vector<1x1000x1xf32>
    %get3A_3 = vector.shape_cast %get3A_2 : vector<1x1000x1xf32> to vector<1000x1xf32>
    %add3A = arith.constant 1.000000e+00 : f32
    %add3A_4 = vector.broadcast %add3A : f32 to vector<1000x1xf32>
    %add3A_5 = arith.addf %add3A_4, %get3A_3 : vector<1000x1xf32>
    %get3A_6 = arith.constant 1 : index
    %get3A_7 = arith.constant 0 : index
    %get3A_8 = arith.constant 0 : index
    %get3A_9 = vector.load %arg4[%get3A_6, %get3A_7, %get3A_8] : memref<2x1000x1xf32, #tpu.memory_space<vmem>>, vector<1x1000x1xf32>
    %get3A_10 = vector.shape_cast %get3A_9 : vector<1x1000x1xf32> to vector<1000x1xf32>
    %add3A_11 = arith.addf %add3A_5, %get3A_10 : vector<1000x1xf32>
    %rsqrt3A = math.rsqrt %add3A_11 : vector<1000x1xf32>
    %get3A_12 = arith.constant 0 : index
    %get3A_13 = arith.constant 0 : index
    %get3A_14 = arith.constant 0 : index
    %get3A_15 = vector.load %arg1[%get3A_12, %get3A_13, %get3A_14] : memref<1x1000x128xf32, #tpu.memory_space<vmem>>, vector<1x1000x128xf32>
    %get3A_16 = vector.shape_cast %get3A_15 : vector<1x1000x128xf32> to vector<1000x128xf32>
    %get3A_17 = arith.constant 0 : index
    %get3A_18 = arith.constant 0 : index
    %get3A_19 = arith.constant 0 : index
    %get3A_20 = vector.load %arg2[%get3A_17, %get3A_18, %get3A_19] : memref<1x1000x128xf32, #tpu.memory_space<vmem>>, vector<1x1000x128xf32>
    %get3A_21 = vector.shape_cast %get3A_20 : vector<1x1000x128xf32> to vector<1000x128xf32>
    %add3A_22 = arith.addf %get3A_16, %get3A_21 : vector<1000x128xf32>
    %get3A_23 = arith.constant 0 : index
    %get3A_24 = arith.constant 0 : index
    %get3A_25 = vector.load %arg3[%get3A_23, %get3A_24] : memref<1000x128xf32, #tpu.memory_space<vmem>>, vector<1000x128xf32>
    %add3A_26 = arith.addf %add3A_22, %get3A_25 : vector<1000x128xf32>
    %mul3A = vector.broadcast %rsqrt3A : vector<1000x1xf32> to vector<1000x128xf32>
    %mul3A_27 = arith.mulf %mul3A, %add3A_26 : vector<1000x128xf32>
    %get3A_28 = arith.constant 0 : index
    %get3A_29 = vector.load %arg5[%get3A_28] : memref<128xf32, #tpu.memory_space<vmem>>, vector<128xf32>
    %broadcast_in_dim3A = vector.shape_cast %get3A_29 : vector<128xf32> to vector<1x128xf32>
    %add3A_30 = vector.broadcast %broadcast_in_dim3A : vector<1x128xf32> to vector<1000x128xf32>
    %add3A_31 = arith.addf %mul3A_27, %add3A_30 : vector<1000x128xf32>
    %max3A = arith.constant 0.000000e+00 : f32
    %max3A_32 = vector.broadcast %max3A : f32 to vector<1000x128xf32>
    %max3A_33 = arith.maximumf %add3A_31, %max3A_32 : vector<1000x128xf32>
    %get3A_34 = arith.constant 0 : index
    %get3A_35 = arith.constant 0 : index
    %get3A_36 = vector.load %arg6[%get3A_34, %get3A_35] : memref<128x128xf32, #tpu.memory_space<vmem>>, vector<128x128xf32>
    %dot_general3A = arith.constant dense<0.000000e+00> : vector<1000x128xf32>
    %dot_general3A_37 = tpu.matmul %max3A_33, %get3A_36, %dot_general3A {dimension_numbers = #tpu.dot_dimension_numbers<[1], [0], [0], [1], [0, 0, 1, 1], [], []>, transpose_lhs_hint = false} : vector<1000x128xf32>, vector<128x128xf32>, vector<1000x128xf32> -> vector<1000x128xf32>
    %mul3A_38 = vector.broadcast %rsqrt3A : vector<1000x1xf32> to vector<1000x128xf32>
    %mul3A_39 = arith.mulf %dot_general3A_37, %mul3A_38 : vector<1000x128xf32>
    %swap3A = arith.constant 0 : index
    %swap3A_40 = arith.constant 0 : index
    %swap3A_41 = vector.load %arg7[%swap3A, %swap3A_40] : memref<1000x128xf32, #tpu.memory_space<vmem>>, vector<1000x128xf32>
    tpu.vector_store %arg7[%swap3A, %swap3A_40], %mul3A_39 {strides = array<i32>} : memref<1000x128xf32, #tpu.memory_space<vmem>>, vector<1000x128xf32>,
    return
  }
  func.func @transform_0(%arg0: i32) -> (i32, i32, i32) {
    %c0_i32 = arith.constant 0 : i32
    %c0_i32_0 = arith.constant 0 : i32
    %c0_i32_1 = arith.constant 0 : i32
    return %c0_i32, %arg0, %c0_i32_0 : i32, i32, i32
  }
  func.func @transform_1(%arg0: i32) -> (i32, i32, i32) {
    %c1_i32 = arith.constant 1 : i32
    %c0_i32 = arith.constant 0 : i32
    %c0_i32_0 = arith.constant 0 : i32
    return %c1_i32, %arg0, %c0_i32 : i32, i32, i32
  }
  func.func @transform_2(%arg0: i32) -> (i32, i32) {
    %c0_i32 = arith.constant 0 : i32
    %c0_i32_0 = arith.constant 0 : i32
    return %arg0, %c0_i32 : i32, i32
  }
  func.func @transform_3(%arg0: i32) -> (i32, i32, i32) {
    %c0_i32 = arith.constant 0 : i32
    %c0_i32_0 = arith.constant 0 : i32
    %c0_i32_1 = arith.constant 0 : i32
    return %c0_i32, %arg0, %c0_i32_0 : i32, i32, i32
  }
  func.func @transform_4(%arg0: i32) -> i32 {
    %c0_i32 = arith.constant 0 : i32
    %c0_i32_0 = arith.constant 0 : i32
    return %c0_i32 : i32
  }
  func.func @transform_5(%arg0: i32) -> (i32, i32) {
    %c0_i32 = arith.constant 0 : i32
    %c0_i32_0 = arith.constant 0 : i32
    %c0_i32_1 = arith.constant 0 : i32
    return %c0_i32, %c0_i32_0 : i32, i32
  }
  func.func @transform_6(%arg0: i32) -> (i32, i32) {
    %c0_i32 = arith.constant 0 : i32
    %c0_i32_0 = arith.constant 0 : i32
    return %arg0, %c0_i32 : i32, i32
  }
}

module attributes {stable_mosaic.version = 14 : i64} {
  func.func @_final_body(%arg0: i32, %arg1: memref<1x1000x128xf32, #tpu.memory_space<vmem>>, %arg2: memref<1x1000x128xf32, #tpu.memory_space<vmem>>, %arg3: memref<1000x128xf32, #tpu.memory_space<vmem>>, %arg4: memref<2x1000x1xf32, #tpu.memory_space<vmem>>, %arg5: memref<128xf32, #tpu.memory_space<vmem>>, %arg6: memref<128x1xf32, #tpu.memory_space<vmem>>, %arg7: memref<1xf32, #tpu.memory_space<vmem>>, %arg8: memref<1000x1xf32, #tpu.memory_space<vmem>>) attributes {dimension_semantics = [#tpu.dimension_semantics<arbitrary>], iteration_bounds = array<i64: 10>, scalar_prefetch = 0 : i64, scratch_operands = 0 : i64, tpu.core_type = #tpu.core_type<tc>, window_params = [{transform_indices = @transform_0, window_bounds = array<i64: 1, 1000, 128>}, {transform_indices = @transform_1, window_bounds = array<i64: 1, 1000, 128>}, {transform_indices = @transform_2, window_bounds = array<i64: 1000, 128>}, {transform_indices = @transform_3, window_bounds = array<i64: 2, 1000, 1>}, {pipeline_mode = #tpu.pipeline_mode<synchronous>, transform_indices = @transform_4, window_bounds = array<i64: 128>}, {pipeline_mode = #tpu.pipeline_mode<synchronous>, transform_indices = @transform_5, window_bounds = array<i64: 128, 1>}, {pipeline_mode = #tpu.pipeline_mode<synchronous>, transform_indices = @transform_6, window_bounds = array<i64: 1>}, {transform_indices = @transform_7, window_bounds = array<i64: 1000, 1>}]} {
    %get3A = arith.constant 0 : index
    %get3A_0 = arith.constant 0 : index
    %get3A_1 = arith.constant 0 : index
    %get3A_2 = vector.load %arg4[%get3A, %get3A_0, %get3A_1] : memref<2x1000x1xf32, #tpu.memory_space<vmem>>, vector<1x1000x1xf32>
    %get3A_3 = vector.shape_cast %get3A_2 : vector<1x1000x1xf32> to vector<1000x1xf32>
    %add3A = arith.constant 1.000000e+00 : f32
    %add3A_4 = vector.broadcast %add3A : f32 to vector<1000x1xf32>
    %add3A_5 = arith.addf %add3A_4, %get3A_3 : vector<1000x1xf32>
    %get3A_6 = arith.constant 1 : index
    %get3A_7 = arith.constant 0 : index
    %get3A_8 = arith.constant 0 : index
    %get3A_9 = vector.load %arg4[%get3A_6, %get3A_7, %get3A_8] : memref<2x1000x1xf32, #tpu.memory_space<vmem>>, vector<1x1000x1xf32>
    %get3A_10 = vector.shape_cast %get3A_9 : vector<1x1000x1xf32> to vector<1000x1xf32>
    %add3A_11 = arith.addf %add3A_5, %get3A_10 : vector<1000x1xf32>
    %rsqrt3A = math.rsqrt %add3A_11 : vector<1000x1xf32>
    %get3A_12 = arith.constant 0 : index
    %get3A_13 = arith.constant 0 : index
    %get3A_14 = arith.constant 0 : index
    %get3A_15 = vector.load %arg1[%get3A_12, %get3A_13, %get3A_14] : memref<1x1000x128xf32, #tpu.memory_space<vmem>>, vector<1x1000x128xf32>
    %get3A_16 = vector.shape_cast %get3A_15 : vector<1x1000x128xf32> to vector<1000x128xf32>
    %get3A_17 = arith.constant 0 : index
    %get3A_18 = arith.constant 0 : index
    %get3A_19 = arith.constant 0 : index
    %get3A_20 = vector.load %arg2[%get3A_17, %get3A_18, %get3A_19] : memref<1x1000x128xf32, #tpu.memory_space<vmem>>, vector<1x1000x128xf32>
    %get3A_21 = vector.shape_cast %get3A_20 : vector<1x1000x128xf32> to vector<1000x128xf32>
    %add3A_22 = arith.addf %get3A_16, %get3A_21 : vector<1000x128xf32>
    %get3A_23 = arith.constant 0 : index
    %get3A_24 = arith.constant 0 : index
    %get3A_25 = vector.load %arg3[%get3A_23, %get3A_24] : memref<1000x128xf32, #tpu.memory_space<vmem>>, vector<1000x128xf32>
    %add3A_26 = arith.addf %add3A_22, %get3A_25 : vector<1000x128xf32>
    %mul3A = vector.broadcast %rsqrt3A : vector<1000x1xf32> to vector<1000x128xf32>
    %mul3A_27 = arith.mulf %mul3A, %add3A_26 : vector<1000x128xf32>
    %get3A_28 = arith.constant 0 : index
    %get3A_29 = vector.load %arg5[%get3A_28] : memref<128xf32, #tpu.memory_space<vmem>>, vector<128xf32>
    %broadcast_in_dim3A = vector.shape_cast %get3A_29 : vector<128xf32> to vector<1x128xf32>
    %add3A_30 = vector.broadcast %broadcast_in_dim3A : vector<1x128xf32> to vector<1000x128xf32>
    %add3A_31 = arith.addf %mul3A_27, %add3A_30 : vector<1000x128xf32>
    %max3A = arith.constant 0.000000e+00 : f32
    %max3A_32 = vector.broadcast %max3A : f32 to vector<1000x128xf32>
    %max3A_33 = arith.maximumf %add3A_31, %max3A_32 : vector<1000x128xf32>
    %get3A_34 = arith.constant 0 : index
    %get3A_35 = arith.constant 0 : index
    %get3A_36 = vector.load %arg6[%get3A_34, %get3A_35] : memref<128x1xf32, #tpu.memory_space<vmem>>, vector<128x1xf32>
    %dot_general3A = arith.constant dense<0.000000e+00> : vector<1000x1xf32>
    %dot_general3A_37 = tpu.matmul %max3A_33, %get3A_36, %dot_general3A {dimension_numbers = #tpu.dot_dimension_numbers<[1], [0], [0], [1], [0, 0, 1, 1], [], []>, transpose_lhs_hint = false} : vector<1000x128xf32>, vector<128x1xf32>, vector<1000x1xf32> -> vector<1000x1xf32>
    %get3A_38 = arith.constant 0 : index
    %get3A_39 = vector.load %arg7[%get3A_38] : memref<1xf32, #tpu.memory_space<vmem>>, vector<1xf32>
    %broadcast_in_dim3A_40 = vector.shape_cast %get3A_39 : vector<1xf32> to vector<1x1xf32>
    %add3A_41 = vector.broadcast %broadcast_in_dim3A_40 : vector<1x1xf32> to vector<1000x1xf32>
    %add3A_42 = arith.addf %dot_general3A_37, %add3A_41 : vector<1000x1xf32>
    %swap3A = arith.constant 0 : index
    %swap3A_43 = arith.constant 0 : index
    %swap3A_44 = vector.load %arg8[%swap3A, %swap3A_43] : memref<1000x1xf32, #tpu.memory_space<vmem>>, vector<1000x1xf32>
    tpu.vector_store %arg8[%swap3A, %swap3A_43], %add3A_42 {strides = array<i32>} : memref<1000x1xf32, #tpu.memory_space<vmem>>, vector<1000x1xf32>,
    return
  }
  func.func @transform_0(%arg0: i32) -> (i32, i32, i32) {
    %c0_i32 = arith.constant 0 : i32
    %c0_i32_0 = arith.constant 0 : i32
    %c0_i32_1 = arith.constant 0 : i32
    return %c0_i32, %arg0, %c0_i32_0 : i32, i32, i32
  }
  func.func @transform_1(%arg0: i32) -> (i32, i32, i32) {
    %c1_i32 = arith.constant 1 : i32
    %c0_i32 = arith.constant 0 : i32
    %c0_i32_0 = arith.constant 0 : i32
    return %c1_i32, %arg0, %c0_i32 : i32, i32, i32
  }
  func.func @transform_2(%arg0: i32) -> (i32, i32) {
    %c0_i32 = arith.constant 0 : i32
    %c0_i32_0 = arith.constant 0 : i32
    return %arg0, %c0_i32 : i32, i32
  }
  func.func @transform_3(%arg0: i32) -> (i32, i32, i32) {
    %c0_i32 = arith.constant 0 : i32
    %c0_i32_0 = arith.constant 0 : i32
    %c0_i32_1 = arith.constant 0 : i32
    return %c0_i32, %arg0, %c0_i32_0 : i32, i32, i32
  }
  func.func @transform_4(%arg0: i32) -> i32 {
    %c0_i32 = arith.constant 0 : i32
    %c0_i32_0 = arith.constant 0 : i32
    return %c0_i32 : i32
  }
  func.func @transform_5(%arg0: i32) -> (i32, i32) {
    %c0_i32 = arith.constant 0 : i32
    %c0_i32_0 = arith.constant 0 : i32
    %c0_i32_1 = arith.constant 0 : i32
    return %c0_i32, %c0_i32_0 : i32, i32
  }
  func.func @transform_6(%arg0: i32) -> i32 {
    %c0_i32 = arith.constant 0 : i32
    %c0_i32_0 = arith.constant 0 : i32
    return %c0_i32 : i32
  }
  func.func @transform_7(%arg0: i32) -> (i32, i32) {
    %c0_i32 = arith.constant 0 : i32
    %c0_i32_0 = arith.constant 0 : i32
    return %arg0, %c0_i32 : i32, i32
  }
}

</mosaic_0001>

<sc_bundles>
// kernel: kernel.11.cloned.1.call-start
scs
__scs_entry_jumppad:
0x0: {  	(pc) =	sbr.rel $0x88, $3  }
0x1: {  	(tag) =	ssettag $0x0;
	lr =	simm.s32 $0x1  }
0x2: {  	[smem:$0x3F99] =	sst lr;
	_ =	strace $0xD0000000  }
0x3: {  	_ = 	snop  }
0x4: {  	_ = 	snop  }
0x5: {  	_ = 	snop  }
0x6: {  	_ = 	snop  }
0x7: {  	_ = 	snop  }
__scs_overlays_trampoline_lowered:
0x8: {  	[smem:$0x3FA8] =	sst s0  }
0x9: {  	[smem:$0x3FA9] =	sst s1  }
0xa: {  	[smem:$0x3FAA] =	sst s2  }
0xb: {  	[smem:$0x3FAB] =	sst s3  }
0xc: {  	[smem:$0x3FAC] =	sst s4  }
0xd: {  	[smem:$0x3FAD] =	sst s5  }
0xe: {  	[smem:$0x3FAE] =	sst s6  }
0xf: {  	[smem:$0x3FAF] =	sst s7  }
0x10: {  	[smem:$0x3FB0] =	sst s8  }
0x11: {  	[smem:$0x3FB1] =	sst s9;
	s0 =	simm.s32 @!p0 $0x0  }
0x12: {  	s1 =	sld [smem:$0x3F97];
	s0 =	simm.s32 @p0 $0x1  }
0x13: {  	[smem:$0x3FB2] =	sst s0;
	s0 =	simm.s32 @!p1 $0x0  }
0x14: {  	s2 =	sld [smem:$0x3F96];
	s0 =	simm.s32 @p1 $0x1  }
0x15: {  	[smem:$0x3FB3] =	sst s0;
	s0 =	simm.s32 @!p2 $0x0  }
0x16: {  	s3 =	sld [smem:$0x3FDB];
	s0 =	simm.s32 @p2 $0x1  }
0x17: {  	s4 =	simm.s32 $0x1BF5;
	[smem:$0x3FB5] =	sst s0  }
0x18: {  	s0 =	sld [smem:$0x3F98];
	_ =	swait.ge [sflag:s4], $0x0  }
0x19: {  	s7 =	sld [smem:$0x3F99]  }
0x1a: {  	s8 =	sadd.s32 $0xFFFFE003, lr  }
0x1b: {  	s9 =	sadd.s32 $0xFFFFFEF7, lr;
	s5 =	simm.s32 $0xFFFFFFFF;
	p2 =	slt.u32 s8, $0xFFFFF086  }
0x1c: {  	p1 =	slt.u32 s9, $0xF7A;
	s5 =	simm.s32 @!p2 $0x0  }
0x1d: {  	s5 =	simm.s32 @p1 $0x1;
	p0 =	seq.s32 s7, s2  }
0x1e: {  	s7 =	smul.u32 @!p0 $0xF7A, s2;
	p2 =	seq.s32 @!p0 s5, $0x0  }
0x1f: {  	s9 =	smul.u32 $0xF7A, s1;
	s8 =	simm.s32 @!p0 $0x1BF5;
	p2 =	por !p2, p0  }
0x20: {  	[sflag:s8] =	ssyncset.s32 @!p0 $0xFFFFF086;
	s6 =	sadd.s32 @!p0 s3, s7;
	s7 =	simm.s32 @!p0 $0x108  }
0x21: {  	s3 =	sadd.s32 s3, s9;
	s6 =	sadd.s32 @!p0 $0x88, s6;
	s7 =	simm.s32 @p2 $0x1082  }
0x22: {  	[simem:s7], [sflag:s8] =	dma.local @!p0 [hbm:s6], $0xF7A  }
0x23: {  	s9 =	sor.u32 $0xD0000000, s2;
	s6 =	simm.s32 $0x108;
	_ =	swait.ge @!p0 [sflag:s8], $0x0  }
0x24: {  	s3 =	sadd.s32 $0x88, s3;
	s6 =	simm.s32 @!p1 $0x1082;
	[sflag:s4] =	ssyncset.s32 $0xFFFFF086  }
0x25: {  	[simem:s6], [sflag:s4] =	dma.local [hbm:s3], $0xF7A  }
0x26: {  	[smem:$0x3F99] =	sst s1;
	(tag) =	ssettag s2;
	_ =	strace s9  }
0x27: {  	s1 =	sld [smem:$0x3FA9]  }
0x28: {  	s2 =	sld [smem:$0x3FAA]  }
0x29: {  	s4 =	sld [smem:$0x3FAC]  }
0x2a: {  	p0 =	seq.s32 s5, $0x0;
	s5 =	sld [smem:$0x3FAD]  }
0x2b: {  	s6 =	sld [smem:$0x3FAE]  }
0x2c: {  	s7 =	sld [smem:$0x3FAF]  }
0x2d: {  	s3 =	simm.s32 $0x108;
	s8 =	sld [smem:$0x3FB0]  }
0x2e: {  	s3 =	simm.s32 @!p0 $0x1082;
	s9 =	sld [smem:$0x3FB1]  }
0x2f: {  	lr =	sadd.s32 s0, s3;
	s0 =	sld [smem:$0x3FA8]  }
0x30: {  	s3 =	sld [smem:$0x3FAB]  }
0x31: {  	[smem:$0x3FB4] =	sst s10  }
0x32: {  	s10 =	sld [smem:$0x3FB2];
	_ =	sdelay $0x3  }
0x33: {  	p0 =	seq.s32 s10, $0x1;
	s10 =	sld [smem:$0x3FB4];
	_ =	sdelay $0x3  }
0x34: {  	[smem:$0x3FB4] =	sst s10  }
0x35: {  	s10 =	sld [smem:$0x3FB3];
	_ =	sdelay $0x3  }
0x36: {  	p1 =	seq.s32 s10, $0x1;
	s10 =	sld [smem:$0x3FB4];
	_ =	sdelay $0x3  }
0x37: {  	[smem:$0x3FB4] =	sst s10  }
0x38: {  	s10 =	sld [smem:$0x3FB5]  }
0x39: {  	_ = 	snop;
	(pc) =	sbr.ind lr, $3  }
0x3a: {  	_ = 	snop  }
0x3b: {  	_ = 	snop  }
0x3c: {  	p2 =	seq.s32 s10, $0x1;
	s10 =	sld [smem:$0x3FB4]  }
0x3d: {  	_ =	shalt  }
0x3e: {  	_ =	shalt  }
0x3f: {  	_ =	shalt  }
0x40: {  	_ =	shalt  }
0x41: {  	_ =	shalt  }
0x42: {  	_ =	shalt  }
0x43: {  	_ =	shalt  }
0x44: {  	_ =	shalt  }
0x45: {  	_ =	shalt  }
0x46: {  	_ =	shalt  }
0x47: {  	_ =	shalt  }
0x48: {  	_ =	shalt  }
0x49: {  	_ =	shalt  }
0x4a: {  	_ =	shalt  }
0x4b: {  	_ =	shalt  }
0x4c: {  	_ =	shalt  }
0x4d: {  	_ =	shalt  }
0x4e: {  	_ =	shalt  }
0x4f: {  	_ =	shalt  }
0x50: {  	_ =	shalt  }
0x51: {  	_ =	shalt  }
0x52: {  	_ =	shalt  }
0x53: {  	_ =	shalt  }
0x54: {  	_ =	shalt  }
0x55: {  	_ =	shalt  }
0x56: {  	_ =	shalt  }
0x57: {  	_ =	shalt  }
0x58: {  	_ =	shalt  }
0x59: {  	_ =	shalt  }
0x5a: {  	_ =	shalt  }
0x5b: {  	_ =	shalt  }
0x5c: {  	_ =	shalt  }
0x5d: {  	_ =	shalt  }
0x5e: {  	_ =	shalt  }
0x5f: {  	_ =	shalt  }
0x60: {  	_ =	shalt  }
0x61: {  	_ =	shalt  }
0x62: {  	_ =	shalt  }
0x63: {  	_ =	shalt  }
0x64: {  	_ =	shalt  }
0x65: {  	_ =	shalt  }
0x66: {  	_ =	shalt  }
0x67: {  	_ =	shalt  }
0x68: {  	_ =	shalt  }
0x69: {  	_ =	shalt  }
0x6a: {  	_ =	shalt  }
0x6b: {  	_ =	shalt  }
0x6c: {  	_ =	shalt  }
0x6d: {  	_ =	shalt  }
0x6e: {  	_ =	shalt  }
0x6f: {  	_ =	shalt  }
0x70: {  	_ =	shalt  }
0x71: {  	_ =	shalt  }
0x72: {  	_ =	shalt  }
0x73: {  	_ =	shalt  }
0x74: {  	_ =	shalt  }
0x75: {  	_ =	shalt  }
0x76: {  	_ =	shalt  }
0x77: {  	_ =	shalt  }
0x78: {  	_ =	shalt  }
0x79: {  	_ =	shalt  }
0x7a: {  	_ =	shalt  }
0x7b: {  	_ =	shalt  }
0x7c: {  	_ =	shalt  }
0x7d: {  	_ =	shalt  }
0x7e: {  	_ =	shalt  }
0x7f: {  	_ =	shalt  }
0x80: {  	_ =	shalt  }
0x81: {  	_ =	shalt  }
0x82: {  	_ =	shalt  }
0x83: {  	_ =	shalt  }
0x84: {  	_ =	shalt  }
0x85: {  	_ =	shalt  }
0x86: {  	_ =	shalt  }
0x87: {  	_ =	shalt  }
.Lfunc_end0:
.L_simem_size_0:
called_computation.1_lowered:
.L_overlay_start_0:
0x88: {  	s2 =	sld [smem:$0x3FD9]  }
0x89: {  	s3 =	sld [smem:$0x3FFE];
	_ =	sdelay $0x1  }
0x8a: {  	s1 =	srdreg.scid  }
0x8b: {  	s0 =	sand.u32 $0x1, s1  }
0x8c: {  	s16 =	sshll.u32 s0, $0xA;
	s2 =	sadd.s32 s3, s2  }
0x8d: {  	s2 =	sadd.s32 s2, s16  }
0x8e: {  	[smem:$0x3FC0] =	sst s2  }
0x8f: {  	_ = 	snop  }
0x90: {  	(tm) =	ssettm $0x1  }
0x91: {  	s17 =	sld [smem:$0x3FFB];
	_ =	sdelay $0x3  }
0x92: {  	_ =	strace s17  }
0x93: {  	s2 =	sld [smem:$0x3FFC];
	_ =	sdelay $0x3  }
0x94: {  	_ =	strace s2  }
0x95: {  	s2 =	sld [smem:$0x3FFD];
	_ =	sdelay $0x3  }
0x96: {  	_ =	strace s2  }
0x97: {  	_ =	strace $0x8FFFFFFF  }
0x98: {  	s18 =	sld [smem:$0x3FDB];
	_ =	sdelay $0x1  }
0x99: {  	s19 =	simm.s32 $_scs_section_size  }
0x9a: {  	s4 =	simm.s32 $_size__tile_overlayer_lowered;
	s5 =	simm.s32 $_tile_overlayer_lowered  }
0x9b: {  	s22 =	simm.s32 $0x1BFF;
	s21 =	sshll.u32 s5, $0x1;
	s2 =	sadd.s32 s19, s18  }
0x9c: {  	s6 =	simm.s32 $0x0;
	s20 =	sshll.u32 s4, $0x1;
	s4 =	sadd.s32 s21, s2  }
0x9d: {  	[timem:s6], [sflag:s22] =	dma.local [hbm:s4], s20  }
0x9e: {  	_ =	swait.ge [sflag:s22], s20  }
0x9f: {  	s3 =	ssub.s32 $0x0, s20;
	[sflag:s22] =	ssyncset.done $0x0  }
0xa0: {  	[sflag:s22] =	ssyncadd.s32 s3;
	_ =	sdelay $0x1  }
0xa1: {  	s23 =	simm.s32 $0x1B8B  }
0xa2: {  	_ =	swait.ge [sflag:s23], $0x1  }
0xa3: {  	[sflag:s23] =	ssyncset.done $0x0  }
0xa4: {  	s25 =	simm.s32 $0x1B8E;
	s24 =	sld [smem:$0x3FFE];
	[sflag:s23] =	ssyncadd.s32 $0xFFFFFFFF  }
0xa5: {  	s26 =	simm.s32 $execute0_lowered;
	[smem:$0x3FD2] =	sst s25  }
0xa6: {  	s4 =	sshll.u32 s26, $0x1;
	_ =	strace $0x80000049;
	[dreg:$0x1] =	wrdreg $0xFFFFFFFF  }
0xa7: {  	s28 =	simm.s32 $_size_execute0_lowered;
	s2 =	sadd.s32 s2, s4;
	[dreg:$0x0] =	wrdreg $0x0  }
0xa8: {  	s4 =	sshll.u32 s28, $0x1;
	[dreg:$0x2] =	wrdreg s2  }
0xa9: {  	[dreg:$0x3] =	wrdreg s4  }
0xaa: {  	[dreg:$0x4] =	wrdreg $0xC0  }
0xab: {  	_ =	task [dreg:s6], $0x5FFFF  }
0xac: {  	[dreg:$0x1] =	wrdreg $0xFFFFFFFF  }
0xad: {  	[dreg:$0x0] =	wrdreg $0x60  }
0xae: {  	[dreg:$0x2] =	wrdreg s24  }
0xaf: {  	[dreg:$0x3] =	wrdreg $0x90000  }
0xb0: {  	[dreg:$0x4] =	wrdreg $0x9  }
0xb1: {  	_ =	task.clear_ibuf [dreg:s6], $0x5FFFF;
	_ =	strace $0x90000049  }
0xb2: {  	s29 =	simm.s32 $0x9;
	_ =	strace $0x8000004B  }
0xb3: {  	_ =	swait.ge [sflag:s29], $0x1  }
0xb4: {  	[sflag:s29] =	ssyncadd.s32 $0xFFFFFFFF  }
0xb5: {  	_ =	strace $0x9000004B  }
0xb6: {  	_ =	sfence  }
0xb7: {  	s30 =	sld [smem:$0x0];
	_ =	sdelay $0x2  }
0xb8: {  	s31 =	sshll.u32 s1, $0xD;
	s1 =	sshrl.u32 s1, $0x2  }
0xb9: {  	s3 =	sand.u32 $0x4000, s31;
	s1 =	sadd.s32 s1, s30  }
0xba: {  	s0 =	sor.u32 s3, s0;
	s1 =	sshll.u32 s1, $0x11  }
0xbb: {  	s0 =	sor.u32 s1, s0  }
0xbc: {  	s0 =	sadd.s32 $0x8F2B, s0  }
0xbd: {  	[sflag:s0] =	ssyncadd.remote.s32 $0x1  }
0xbe: {  	_ =	sfence.sel $0xFFFF  }
0xbf: {  	[dreg:$0x0] =	wrdreg $0xFFFFFFFF;
	(pc) =	sbr.abs _section_cstart, $3  }
0xc0: {  	[dreg:$0x1] =	wrdreg $0xFFFFFFFF  }
0xc1: {  	_ =	task.clear_ibuf [dreg:s6], $0x2FFFF;
	_ =	strace $0x9FFFFFFF  }
0xc2: {  	(tm) =	ssettm $0x7FFFFFFF  }
0xc3: {  	_ =	shalt  }
tec
execute0_lowered:
.L_overlay_start_1:
0x0: {  	(tag) =	ssettag $0x1  }
0x1: {  	s0 =	rddreg [dreg:$0x0]  }
0x2: {  	s2 =	rddreg [dreg:$0x1];
	s1 =	srdreg.scid  }
0x3: {  	s10 =	stileid.u32;
	s3 =	simm.s32 $0x0;
	s12 =	simm.s32 $0x3  }
0x4: {  	s13 =	simm.s32 $0x800;
	s14 =	simm.s32 $0x80;
	s15 =	simm.s32 $0x1000  }
0x5: {  	s16 =	simm.s32 $0x1;
	s17 =	simm.s32 $0x5000;
	s18 =	simm.s32 $0x2  }
0x6: {  	s31 =	simm.s32 $0x580;
	s11 =	simm.s32 $0xF00;
	s4 =	smul.u32 $0x9, s10  }
0x7: {  	s19 =	simm.s32 $0xF80;
	s1 =	sand.u32 $0x1, s1;
	s6 =	smul.u32 $0x2800, s10  }
0x8: {  	[smem:$0x7FF] =	sst s3;
	s5 =	sor.u32 $0x90, s10;
	s8 =	smul.u32 $0x50000, s10  }
0x9: {  	s24 =	sshll.u32 s10, $0x6;
	s10 =	simm.s32 $0xE80;
	p0 =	seq.s32 s1, $0x0  }
0xa: {  	_ =	strace $0x8000004A;
	s7 =	smul.u32 $0x28000, s1;
	s21 =	ssub.s32 $0x2, s1  }
0xb: {  	s29 =	sor.u32 $0x1C03, s24;
	s24 =	simm.s32 $0xC00;
	s5 =	smov.u32 @p0 s4  }
0xc: {  	s4 =	sadd.s32 $0x67400, s0;
	s9 =	sadd.s32 s6, s0;
	s22 =	sshrl.u32 s21, $0x1  }
0xd: {  	s8 =	sshrl.u32 s8, $0x2;
	p0 =	sne.s32 s1, $0x0;
	[dreg:$0x4] =	wrdreg s29  }
0xe: {  	s1 =	simm.s32 $0x600;
	s5 =	sshll.u32 s5, $0x8;
	s6 =	sadd.s32 s6, s7  }
0xf: {  	s23 =	sadd.s32 s8, s2;
	s9 =	sadd.s32 $0x8E600, s9;
	s7 =	simm.s32 $0x680  }
0x10: {  	s8 =	simm.s32 $0xE00;
	s5 =	sadd.s32 s5, s0;
	s0 =	sadd.s32 s6, s0  }
0x11: {  	s6 =	ssub.s32 s21, s22;
	[dreg:$0x3] =	wrdreg s9;
	s30 =	sshrl.u32 s23, $0x3  }
0x12: {  	s21 =	simm.s32 $0x400;
	s0 =	sadd.s32 $0xB6600, s0;
	[dreg:$0x9] =	wrdreg s30  }
0x13: {  	s22 =	simm.s32 $0xB80;
	s25 =	smax.u32 s6, $0x1;
	[dreg:$0x5] =	wrdreg s0  }
0x14: {  	s23 =	simm.s32 $0x480;
	s26 =	sadd.s32 $0x2400, s5;
	[dreg:$0x6] =	wrdreg s25  }
0x15: {  	s9 =	simm.s32 $0x700;
	s28 =	sadd.s32 $0xD400, s5;
	[dreg:$0x7] =	wrdreg s26  }
0x16: {  	s5 =	simm.s32 $0xD80;
	s6 =	simm.s32 $0x780;
	[dreg:$0x8] =	wrdreg s28  }
0x17: {  	s0 =	simm.s32 $0x0;
	s25 =	simm.s32 $0x500;
	s26 =	simm.s32 $0xC80  }
.LBB2_1:
0x18: {  	[dreg:$0xa] =	wrdreg s0  }
0x19: {  	s28 =	rddreg [dreg:$0x3]  }
0x1a: {  	[spmem:s30], [sflag:s29] =	dma.local [hbm:s28], $0x2800  }
0x1b: {  	_ =	swait.ge [sflag:s12], $0x2800  }
0x1c: {  	[sflag:s12] =	ssyncset.done $0x0  }
0x1d: {  	[sflag:s12] =	ssyncadd.s32 $0xFFFFD800  }
0x1e: {  	[bflag:$0x0] =	sbarrier.arrive $0xFFFF  }
0x1f: {  	s28 =	rddreg [dreg:$0x8]  }
0x20: {  	s0 =	simm.s32 $0xD00;
	s30 =	simm.s32 $0x0;
	s29 =	rddreg [dreg:$0x7]  }
.LBB2_2:
0x21: {  	[tilespmem:s3], [sflag:$0x3] =	stream.linear.gather [hbm4b:s28+s3], $0x800, $0x38;
	[tilespmem:$0x1D000] =	vst v63  }
0x22: {  	_ =	swait.ge [sflag:s12], $0x800  }
0x23: {  	[sflag:s12] =	ssyncset.done $0x0  }
0x24: {  	[sflag:s12] =	ssyncadd.s32 $0xFFFFF800  }
0x25: {  	[tilespmem:s13], [sflag:$0x3] =	stream.linear.gather [hbm4b:s29+s3], $0x800, $0x38;
	[tilespmem:$0x1D000] =	vst v63  }
0x26: {  	_ =	swait.ge [sflag:s12], $0x800  }
0x27: {  	[sflag:s12] =	ssyncset.done $0x0  }
0x28: {  	[sflag:s12] =	ssyncadd.s32 $0xFFFFF800  }
0x29: {  	[tilespmem:s15], [sflag:$0x1] =	stream.indirect.gather [hbm4b:s4+s14], $0x80, s3, s14, $0xb8;
	[tilespmem:$0x1D000] =	vst v63  }
0x2a: {  	_ =	swait.ge [sflag:s16], $0x4000  }
0x2b: {  	[sflag:s16] =	ssyncset.done $0x0  }
0x2c: {  	[sflag:s16] =	ssyncadd.s32 $0xFFFFC000  }
0x2d: {  	[tilespmem:s17], [sflag:$0x2] =	stream.indirect.gather [hbm4b:s4+s14], $0x80, s14, s14, $0xb8;
	[tilespmem:$0x1D000] =	vst v63  }
0x2e: {  	_ = 	snop  }
0x2f: {  	[spmem:s2] =	stream.indirect.scatter.add.f32 [tilespmem:s15], [sflag:$0x3], $0x80, s13, s14, $0xb8;
	[tilespmem:$0x1D000] =	vst v63  }
0x30: {  	_ =	swait.ge [sflag:s12], $0x4000  }
0x31: {  	[sflag:s12] =	ssyncset.done $0x0  }
0x32: {  	[sflag:s12] =	ssyncadd.s32 $0xFFFFC000  }
0x33: {  	_ =	swait.ge [sflag:s18], $0x4000  }
0x34: {  	[sflag:s18] =	ssyncset.done $0x0  }
0x35: {  	s20 =	simm.s32 $0x100;
	[sflag:s18] =	ssyncadd.s32 $0xFFFFC000  }
0x36: {  	[tilespmem:s15], [sflag:$0x1] =	stream.indirect.gather [hbm4b:s4+s14], $0x80, s20, s14, $0xb8;
	[tilespmem:$0x1D000] =	vst v63  }
0x37: {  	s20 =	simm.s32 $0x880  }
0x38: {  	[spmem:s2] =	stream.indirect.scatter.add.f32 [tilespmem:s17], [sflag:$0x3], $0x80, s20, s14, $0xb8;
	[tilespmem:$0x1D000] =	vst v63  }
0x39: {  	_ =	swait.ge [sflag:s12], $0x4000  }
0x3a: {  	[sflag:s12] =	ssyncset.done $0x0  }
0x3b: {  	[sflag:s12] =	ssyncadd.s32 $0xFFFFC000  }
0x3c: {  	_ =	swait.ge [sflag:s16], $0x4000  }
0x3d: {  	[sflag:s16] =	ssyncset.done $0x0  }
0x3e: {  	s20 =	simm.s32 $0x180;
	[sflag:s16] =	ssyncadd.s32 $0xFFFFC000  }
0x3f: {  	[tilespmem:s17], [sflag:$0x2] =	stream.indirect.gather [hbm4b:s4+s14], $0x80, s20, s14, $0xb8;
	[tilespmem:$0x1D000] =	vst v63  }
0x40: {  	s20 =	simm.s32 $0x900  }
0x41: {  	[spmem:s2] =	stream.indirect.scatter.add.f32 [tilespmem:s15], [sflag:$0x3], $0x80, s20, s14, $0xb8;
	[tilespmem:$0x1D000] =	vst v63  }
0x42: {  	_ =	swait.ge [sflag:s12], $0x4000  }
0x43: {  	[sflag:s12] =	ssyncset.done $0x0  }
0x44: {  	[sflag:s12] =	ssyncadd.s32 $0xFFFFC000  }
0x45: {  	_ =	swait.ge [sflag:s18], $0x4000  }
0x46: {  	[sflag:s18] =	ssyncset.done $0x0  }
0x47: {  	s20 =	simm.s32 $0x200;
	[sflag:s18] =	ssyncadd.s32 $0xFFFFC000  }
0x48: {  	[tilespmem:s15], [sflag:$0x1] =	stream.indirect.gather [hbm4b:s4+s14], $0x80, s20, s14, $0xb8;
	[tilespmem:$0x1D000] =	vst v63  }
0x49: {  	s20 =	simm.s32 $0x980  }
0x4a: {  	[spmem:s2] =	stream.indirect.scatter.add.f32 [tilespmem:s17], [sflag:$0x3], $0x80, s20, s14, $0xb8;
	[tilespmem:$0x1D000] =	vst v63  }
0x4b: {  	_ =	swait.ge [sflag:s12], $0x4000  }
0x4c: {  	[sflag:s12] =	ssyncset.done $0x0  }
0x4d: {  	[sflag:s12] =	ssyncadd.s32 $0xFFFFC000  }
0x4e: {  	_ =	swait.ge [sflag:s16], $0x4000  }
0x4f: {  	[sflag:s16] =	ssyncset.done $0x0  }
0x50: {  	s20 =	simm.s32 $0x280;
	[sflag:s16] =	ssyncadd.s32 $0xFFFFC000  }
0x51: {  	[tilespmem:s17], [sflag:$0x2] =	stream.indirect.gather [hbm4b:s4+s14], $0x80, s20, s14, $0xb8;
	[tilespmem:$0x1D000] =	vst v63  }
0x52: {  	s20 =	simm.s32 $0xA00  }
0x53: {  	[spmem:s2] =	stream.indirect.scatter.add.f32 [tilespmem:s15], [sflag:$0x3], $0x80, s20, s14, $0xb8;
	[tilespmem:$0x1D000] =	vst v63  }
0x54: {  	_ =	swait.ge [sflag:s12], $0x4000  }
0x55: {  	[sflag:s12] =	ssyncset.done $0x0  }
0x56: {  	[sflag:s12] =	ssyncadd.s32 $0xFFFFC000  }
0x57: {  	_ =	swait.ge [sflag:s18], $0x4000  }
0x58: {  	[sflag:s18] =	ssyncset.done $0x0  }
0x59: {  	s20 =	simm.s32 $0x300;
	[sflag:s18] =	ssyncadd.s32 $0xFFFFC000  }
0x5a: {  	[tilespmem:s15], [sflag:$0x1] =	stream.indirect.gather [hbm4b:s4+s14], $0x80, s20, s14, $0xb8;
	[tilespmem:$0x1D000] =	vst v63  }
0x5b: {  	s20 =	simm.s32 $0xA80  }
0x5c: {  	[spmem:s2] =	stream.indirect.scatter.add.f32 [tilespmem:s17], [sflag:$0x3], $0x80, s20, s14, $0xb8;
	[tilespmem:$0x1D000] =	vst v63  }
0x5d: {  	_ =	swait.ge [sflag:s12], $0x4000  }
0x5e: {  	[sflag:s12] =	ssyncset.done $0x0  }
0x5f: {  	[sflag:s12] =	ssyncadd.s32 $0xFFFFC000  }
0x60: {  	_ =	swait.ge [sflag:s16], $0x4000  }
0x61: {  	[sflag:s16] =	ssyncset.done $0x0  }
0x62: {  	s20 =	simm.s32 $0x380;
	[sflag:s16] =	ssyncadd.s32 $0xFFFFC000  }
0x63: {  	[tilespmem:s17], [sflag:$0x2] =	stream.indirect.gather [hbm4b:s4+s14], $0x80, s20, s14, $0xb8;
	[tilespmem:$0x1D000] =	vst v63  }
0x64: {  	s20 =	simm.s32 $0xB00  }
0x65: {  	[spmem:s2] =	stream.indirect.scatter.add.f32 [tilespmem:s15], [sflag:$0x3], $0x80, s20, s14, $0xb8;
	[tilespmem:$0x1D000] =	vst v63  }
0x66: {  	_ =	swait.ge [sflag:s12], $0x4000  }
0x67: {  	[sflag:s12] =	ssyncset.done $0x0  }
0x68: {  	[sflag:s12] =	ssyncadd.s32 $0xFFFFC000  }
0x69: {  	_ =	swait.ge [sflag:s18], $0x4000  }
0x6a: {  	[sflag:s18] =	ssyncset.done $0x0  }
0x6b: {  	[sflag:s18] =	ssyncadd.s32 $0xFFFFC000  }
0x6c: {  	[tilespmem:s15], [sflag:$0x1] =	stream.indirect.gather [hbm4b:s4+s14], $0x80, s21, s14, $0xb8;
	[tilespmem:$0x1D000] =	vst v63  }
0x6d: {  	_ = 	snop  }
0x6e: {  	[spmem:s2] =	stream.indirect.scatter.add.f32 [tilespmem:s17], [sflag:$0x3], $0x80, s22, s14, $0xb8;
	[tilespmem:$0x1D000] =	vst v63  }
0x6f: {  	_ =	swait.ge [sflag:s12], $0x4000  }
0x70: {  	[sflag:s12] =	ssyncset.done $0x0  }
0x71: {  	[sflag:s12] =	ssyncadd.s32 $0xFFFFC000  }
0x72: {  	_ =	swait.ge [sflag:s16], $0x4000  }
0x73: {  	[sflag:s16] =	ssyncset.done $0x0  }
0x74: {  	[sflag:s16] =	ssyncadd.s32 $0xFFFFC000  }
0x75: {  	[tilespmem:s17], [sflag:$0x2] =	stream.indirect.gather [hbm4b:s4+s14], $0x80, s23, s14, $0xb8;
	[tilespmem:$0x1D000] =	vst v63  }
0x76: {  	_ = 	snop  }
0x77: {  	[spmem:s2] =	stream.indirect.scatter.add.f32 [tilespmem:s15], [sflag:$0x3], $0x80, s24, s14, $0xb8;
	[tilespmem:$0x1D000] =	vst v63  }
0x78: {  	_ =	swait.ge [sflag:s12], $0x4000  }
0x79: {  	[sflag:s12] =	ssyncset.done $0x0  }
0x7a: {  	[sflag:s12] =	ssyncadd.s32 $0xFFFFC000  }
0x7b: {  	_ =	swait.ge [sflag:s18], $0x4000  }
0x7c: {  	[sflag:s18] =	ssyncset.done $0x0  }
0x7d: {  	[sflag:s18] =	ssyncadd.s32 $0xFFFFC000  }
0x7e: {  	[tilespmem:s15], [sflag:$0x1] =	stream.indirect.gather [hbm4b:s4+s14], $0x80, s25, s14, $0xb8;
	[tilespmem:$0x1D000] =	vst v63  }
0x7f: {  	_ = 	snop  }
0x80: {  	[spmem:s2] =	stream.indirect.scatter.add.f32 [tilespmem:s17], [sflag:$0x3], $0x80, s26, s14, $0xb8;
	[tilespmem:$0x1D000] =	vst v63  }
0x81: {  	_ =	swait.ge [sflag:s12], $0x4000  }
0x82: {  	[sflag:s12] =	ssyncset.done $0x0  }
0x83: {  	[sflag:s12] =	ssyncadd.s32 $0xFFFFC000  }
0x84: {  	_ =	swait.ge [sflag:s16], $0x4000  }
0x85: {  	[sflag:s16] =	ssyncset.done $0x0  }
0x86: {  	[sflag:s16] =	ssyncadd.s32 $0xFFFFC000  }
0x87: {  	[tilespmem:s17], [sflag:$0x2] =	stream.indirect.gather [hbm4b:s4+s14], $0x80, s31, s14, $0xb8;
	[tilespmem:$0x1D000] =	vst v63  }
0x88: {  	_ = 	snop  }
0x89: {  	[spmem:s2] =	stream.indirect.scatter.add.f32 [tilespmem:s15], [sflag:$0x3], $0x80, s0, s14, $0xb8;
	[tilespmem:$0x1D000] =	vst v63  }
0x8a: {  	_ =	swait.ge [sflag:s12], $0x4000  }
0x8b: {  	[sflag:s12] =	ssyncset.done $0x0  }
0x8c: {  	[sflag:s12] =	ssyncadd.s32 $0xFFFFC000  }
0x8d: {  	_ =	swait.ge [sflag:s18], $0x4000  }
0x8e: {  	[sflag:s18] =	ssyncset.done $0x0  }
0x8f: {  	[sflag:s18] =	ssyncadd.s32 $0xFFFFC000  }
0x90: {  	[tilespmem:s15], [sflag:$0x1] =	stream.indirect.gather [hbm4b:s4+s14], $0x80, s1, s14, $0xb8;
	[tilespmem:$0x1D000] =	vst v63  }
0x91: {  	_ = 	snop  }
0x92: {  	[spmem:s2] =	stream.indirect.scatter.add.f32 [tilespmem:s17], [sflag:$0x3], $0x80, s5, s14, $0xb8;
	[tilespmem:$0x1D000] =	vst v63  }
0x93: {  	_ =	swait.ge [sflag:s12], $0x4000  }
0x94: {  	[sflag:s12] =	ssyncset.done $0x0  }
0x95: {  	[sflag:s12] =	ssyncadd.s32 $0xFFFFC000  }
0x96: {  	_ =	swait.ge [sflag:s16], $0x4000  }
0x97: {  	[sflag:s16] =	ssyncset.done $0x0  }
0x98: {  	[sflag:s16] =	ssyncadd.s32 $0xFFFFC000  }
0x99: {  	[tilespmem:s17], [sflag:$0x2] =	stream.indirect.gather [hbm4b:s4+s14], $0x80, s7, s14, $0xb8;
	[tilespmem:$0x1D000] =	vst v63  }
0x9a: {  	_ = 	snop  }
0x9b: {  	[spmem:s2] =	stream.indirect.scatter.add.f32 [tilespmem:s15], [sflag:$0x3], $0x80, s8, s14, $0xb8;
	[tilespmem:$0x1D000] =	vst v63  }
0x9c: {  	_ =	swait.ge [sflag:s12], $0x4000  }
0x9d: {  	[sflag:s12] =	ssyncset.done $0x0  }
0x9e: {  	[sflag:s12] =	ssyncadd.s32 $0xFFFFC000  }
0x9f: {  	_ =	swait.ge [sflag:s18], $0x4000  }
0xa0: {  	[sflag:s18] =	ssyncset.done $0x0  }
0xa1: {  	[sflag:s18] =	ssyncadd.s32 $0xFFFFC000  }
0xa2: {  	[tilespmem:s15], [sflag:$0x1] =	stream.indirect.gather [hbm4b:s4+s14], $0x80, s9, s14, $0xb8;
	[tilespmem:$0x1D000] =	vst v63  }
0xa3: {  	_ = 	snop  }
0xa4: {  	[spmem:s2] =	stream.indirect.scatter.add.f32 [tilespmem:s17], [sflag:$0x3], $0x80, s10, s14, $0xb8;
	[tilespmem:$0x1D000] =	vst v63  }
0xa5: {  	_ =	swait.ge [sflag:s12], $0x4000  }
0xa6: {  	[sflag:s12] =	ssyncset.done $0x0  }
0xa7: {  	[sflag:s12] =	ssyncadd.s32 $0xFFFFC000  }
0xa8: {  	_ =	swait.ge [sflag:s16], $0x4000  }
0xa9: {  	[sflag:s16] =	ssyncset.done $0x0  }
0xaa: {  	[sflag:s16] =	ssyncadd.s32 $0xFFFFC000  }
0xab: {  	[tilespmem:s17], [sflag:$0x2] =	stream.indirect.gather [hbm4b:s4+s14], $0x80, s6, s14, $0xb8;
	[tilespmem:$0x1D000] =	vst v63  }
0xac: {  	_ = 	snop  }
0xad: {  	[spmem:s2] =	stream.indirect.scatter.add.f32 [tilespmem:s15], [sflag:$0x3], $0x80, s11, s14, $0xb8;
	[tilespmem:$0x1D000] =	vst v63  }
0xae: {  	_ =	swait.ge [sflag:s12], $0x4000  }
0xaf: {  	[sflag:s12] =	ssyncset.done $0x0  }
0xb0: {  	[sflag:s12] =	ssyncadd.s32 $0xFFFFC000  }
0xb1: {  	p1 =	slt.u32 @!p0 s30, $0x8;
	_ =	swait.ge [sflag:s18], $0x4000  }
0xb2: {  	p1 =	por p0, !p1;
	[sflag:s18] =	ssyncset.done $0x0  }
.Ltmp0:
0xb3: {  	[sflag:s18] =	ssyncadd.s32 $0xFFFFC000;
	(pc) =	sbr.rel @!p1 .LBB2_2-.Ltmp0, $4  }
0xb4: {  	[spmem:s2] =	stream.indirect.scatter.add.f32 [tilespmem:s17], [sflag:$0x3], $0x80, s19, s14, $0xb8;
	[tilespmem:$0x1D000] =	vst v63  }
0xb5: {  	_ =	swait.ge [sflag:s12], $0x4000  }
0xb6: {  	s30 =	sadd.s32 $0x1, s30;
	[sflag:s12] =	ssyncset.done $0x0  }
0xb7: {  	s28 =	sadd.s32 $0x100, s28;
	s29 =	sadd.s32 $0x100, s29;
	[sflag:s12] =	ssyncadd.s32 $0xFFFFC000  }
0xb8: {  	[bflag:$0x0] =	sbarrier.arrive $0xFFFF  }
0xb9: {  	s29 =	rddreg [dreg:$0x4]  }
0xba: {  	s28 =	rddreg [dreg:$0x5]  }
0xbb: {  	s30 =	rddreg [dreg:$0x9]  }
0xbc: {  	[hbm:s28], [sflag:s29] =	dma.local [spmem:s30], $0x2800  }
0xbd: {  	_ =	swait.ge [sflag:s12], $0x2800  }
0xbe: {  	s0 =	rddreg [dreg:$0xa]  }
0xbf: {  	s20 =	rddreg [dreg:$0x6];
	s0 =	sadd.s32 $0x1, s0  }
0xc0: {  	p1 =	sne.s32 s0, s20  }
.Ltmp1:
0xc1: {  	_ = 	snop;
	(pc) =	sbr.rel @p1 .LBB2_1-.Ltmp1, $3  }
0xc2: {  	_ =	sdelay $0x1  }
0xc3: {  	[sflag:s12] =	ssyncset.done $0x0  }
0xc4: {  	[sflag:s12] =	ssyncadd.s32 $0xFFFFD800  }
0xc5: {  	_ =	sfence.sel $0x180000  }
0xc6: {  	[bflag:$0x0] =	sbarrier.arrive $0xFFFF  }
0xc7: {  	_ =	strace $0x9000004A  }
0xc8: {  	s0 =	stileid.u32;
	[bflag:$0x2] =	sbarrier.arrive $0xFFFF  }
0xc9: {  	p0 =	sne.s32 s0, $0x0;
	s0 =	rddreg [dreg:$0x2]  }
0xca: {  	s0 =	sadd.s32 @!p0 $0x100000, s0  }
0xcb: {  	[sflag:s0] =	ssyncadd.tile.s32 @!p0 $0x1;
	_ =	shalt  }
.Lfunc_end2:
_tile_overlayer_lowered:
.L_overlay_start_2:
0xcc: {  	(tag) =	ssettag $0x2  }
0xcd: {  	s0 =	rddreg [dreg:$0x0];
	s2 =	stileid.u32  }
0xce: {  	s1 =	rddreg [dreg:$0x1];
	p0 =	sne.s32 s2, $0x0  }
0xcf: {  	s3 =	rddreg [dreg:$0x2];
	[bflag:$0x3] =	sbarrier.arrive $0xFFFF;
	s2 =	simm.s32 @!p0 $0x1C03  }
0xd0: {  	[timem:s3], [sflag:s2] =	dma.local @!p0 [hbm:s0], s1  }
0xd1: {  	s0 =	simm.s32 @!p0 $0x3  }
0xd2: {  	_ =	swait.ge @!p0 [sflag:s0], s1  }
0xd3: {  	s1 =	ssub.s32 @!p0 $0x0, s1;
	[sflag:s0] =	ssyncset.done @!p0 $0x0  }
0xd4: {  	[sflag:s0] =	ssyncadd.s32 @!p0 s1  }
0xd5: {  	[bflag:$0x3] =	sbarrier.arrive $0xFFFF  }
0xd6: {  	_ =	shalt  }

// kernel: kernel.14.cloned.1.call-start
scs
__scs_entry_jumppad:
0x0: {  	(pc) =	sbr.rel $0x88, $3  }
0x1: {  	(tag) =	ssettag $0x0;
	lr =	simm.s32 $0x1  }
0x2: {  	[smem:$0x3F99] =	sst lr;
	_ =	strace $0xD0000000  }
0x3: {  	_ = 	snop  }
0x4: {  	_ = 	snop  }
0x5: {  	_ = 	snop  }
0x6: {  	_ = 	snop  }
0x7: {  	_ = 	snop  }
__scs_overlays_trampoline_lowered:
0x8: {  	[smem:$0x3FA8] =	sst s0  }
0x9: {  	[smem:$0x3FA9] =	sst s1  }
0xa: {  	[smem:$0x3FAA] =	sst s2  }
0xb: {  	[smem:$0x3FAB] =	sst s3  }
0xc: {  	[smem:$0x3FAC] =	sst s4  }
0xd: {  	[smem:$0x3FAD] =	sst s5  }
0xe: {  	[smem:$0x3FAE] =	sst s6  }
0xf: {  	[smem:$0x3FAF] =	sst s7  }
0x10: {  	[smem:$0x3FB0] =	sst s8  }
0x11: {  	[smem:$0x3FB1] =	sst s9;
	s0 =	simm.s32 @!p0 $0x0  }
0x12: {  	s1 =	sld [smem:$0x3F97];
	s0 =	simm.s32 @p0 $0x1  }
0x13: {  	[smem:$0x3FB2] =	sst s0;
	s0 =	simm.s32 @!p1 $0x0  }
0x14: {  	s2 =	sld [smem:$0x3F96];
	s0 =	simm.s32 @p1 $0x1  }
0x15: {  	[smem:$0x3FB3] =	sst s0;
	s0 =	simm.s32 @!p2 $0x0  }
0x16: {  	s3 =	sld [smem:$0x3FDB];
	s0 =	simm.s32 @p2 $0x1  }
0x17: {  	s4 =	simm.s32 $0x1BF5;
	[smem:$0x3FB5] =	sst s0  }
0x18: {  	s0 =	sld [smem:$0x3F98];
	_ =	swait.ge [sflag:s4], $0x0  }
0x19: {  	s7 =	sld [smem:$0x3F99]  }
0x1a: {  	s8 =	sadd.s32 $0xFFFFE003, lr  }
0x1b: {  	s9 =	sadd.s32 $0xFFFFFEF7, lr;
	s5 =	simm.s32 $0xFFFFFFFF;
	p2 =	slt.u32 s8, $0xFFFFF086  }
0x1c: {  	p1 =	slt.u32 s9, $0xF7A;
	s5 =	simm.s32 @!p2 $0x0  }
0x1d: {  	s5 =	simm.s32 @p1 $0x1;
	p0 =	seq.s32 s7, s2  }
0x1e: {  	s7 =	smul.u32 @!p0 $0xF7A, s2;
	p2 =	seq.s32 @!p0 s5, $0x0  }
0x1f: {  	s9 =	smul.u32 $0xF7A, s1;
	s8 =	simm.s32 @!p0 $0x1BF5;
	p2 =	por !p2, p0  }
0x20: {  	[sflag:s8] =	ssyncset.s32 @!p0 $0xFFFFF086;
	s6 =	sadd.s32 @!p0 s3, s7;
	s7 =	simm.s32 @!p0 $0x108  }
0x21: {  	s3 =	sadd.s32 s3, s9;
	s6 =	sadd.s32 @!p0 $0x88, s6;
	s7 =	simm.s32 @p2 $0x1082  }
0x22: {  	[simem:s7], [sflag:s8] =	dma.local @!p0 [hbm:s6], $0xF7A  }
0x23: {  	s9 =	sor.u32 $0xD0000000, s2;
	s6 =	simm.s32 $0x108;
	_ =	swait.ge @!p0 [sflag:s8], $0x0  }
0x24: {  	s3 =	sadd.s32 $0x88, s3;
	s6 =	simm.s32 @!p1 $0x1082;
	[sflag:s4] =	ssyncset.s32 $0xFFFFF086  }
0x25: {  	[simem:s6], [sflag:s4] =	dma.local [hbm:s3], $0xF7A  }
0x26: {  	[smem:$0x3F99] =	sst s1;
	(tag) =	ssettag s2;
	_ =	strace s9  }
0x27: {  	s1 =	sld [smem:$0x3FA9]  }
0x28: {  	s2 =	sld [smem:$0x3FAA]  }
0x29: {  	s4 =	sld [smem:$0x3FAC]  }
0x2a: {  	p0 =	seq.s32 s5, $0x0;
	s5 =	sld [smem:$0x3FAD]  }
0x2b: {  	s6 =	sld [smem:$0x3FAE]  }
0x2c: {  	s7 =	sld [smem:$0x3FAF]  }
0x2d: {  	s3 =	simm.s32 $0x108;
	s8 =	sld [smem:$0x3FB0]  }
0x2e: {  	s3 =	simm.s32 @!p0 $0x1082;
	s9 =	sld [smem:$0x3FB1]  }
0x2f: {  	lr =	sadd.s32 s0, s3;
	s0 =	sld [smem:$0x3FA8]  }
0x30: {  	s3 =	sld [smem:$0x3FAB]  }
0x31: {  	[smem:$0x3FB4] =	sst s10  }
0x32: {  	s10 =	sld [smem:$0x3FB2];
	_ =	sdelay $0x3  }
0x33: {  	p0 =	seq.s32 s10, $0x1;
	s10 =	sld [smem:$0x3FB4];
	_ =	sdelay $0x3  }
0x34: {  	[smem:$0x3FB4] =	sst s10  }
0x35: {  	s10 =	sld [smem:$0x3FB3];
	_ =	sdelay $0x3  }
0x36: {  	p1 =	seq.s32 s10, $0x1;
	s10 =	sld [smem:$0x3FB4];
	_ =	sdelay $0x3  }
0x37: {  	[smem:$0x3FB4] =	sst s10  }
0x38: {  	s10 =	sld [smem:$0x3FB5]  }
0x39: {  	_ = 	snop;
	(pc) =	sbr.ind lr, $3  }
0x3a: {  	_ = 	snop  }
0x3b: {  	_ = 	snop  }
0x3c: {  	p2 =	seq.s32 s10, $0x1;
	s10 =	sld [smem:$0x3FB4]  }
0x3d: {  	_ =	shalt  }
0x3e: {  	_ =	shalt  }
0x3f: {  	_ =	shalt  }
0x40: {  	_ =	shalt  }
0x41: {  	_ =	shalt  }
0x42: {  	_ =	shalt  }
0x43: {  	_ =	shalt  }
0x44: {  	_ =	shalt  }
0x45: {  	_ =	shalt  }
0x46: {  	_ =	shalt  }
0x47: {  	_ =	shalt  }
0x48: {  	_ =	shalt  }
0x49: {  	_ =	shalt  }
0x4a: {  	_ =	shalt  }
0x4b: {  	_ =	shalt  }
0x4c: {  	_ =	shalt  }
0x4d: {  	_ =	shalt  }
0x4e: {  	_ =	shalt  }
0x4f: {  	_ =	shalt  }
0x50: {  	_ =	shalt  }
0x51: {  	_ =	shalt  }
0x52: {  	_ =	shalt  }
0x53: {  	_ =	shalt  }
0x54: {  	_ =	shalt  }
0x55: {  	_ =	shalt  }
0x56: {  	_ =	shalt  }
0x57: {  	_ =	shalt  }
0x58: {  	_ =	shalt  }
0x59: {  	_ =	shalt  }
0x5a: {  	_ =	shalt  }
0x5b: {  	_ =	shalt  }
0x5c: {  	_ =	shalt  }
0x5d: {  	_ =	shalt  }
0x5e: {  	_ =	shalt  }
0x5f: {  	_ =	shalt  }
0x60: {  	_ =	shalt  }
0x61: {  	_ =	shalt  }
0x62: {  	_ =	shalt  }
0x63: {  	_ =	shalt  }
0x64: {  	_ =	shalt  }
0x65: {  	_ =	shalt  }
0x66: {  	_ =	shalt  }
0x67: {  	_ =	shalt  }
0x68: {  	_ =	shalt  }
0x69: {  	_ =	shalt  }
0x6a: {  	_ =	shalt  }
0x6b: {  	_ =	shalt  }
0x6c: {  	_ =	shalt  }
0x6d: {  	_ =	shalt  }
0x6e: {  	_ =	shalt  }
0x6f: {  	_ =	shalt  }
0x70: {  	_ =	shalt  }
0x71: {  	_ =	shalt  }
0x72: {  	_ =	shalt  }
0x73: {  	_ =	shalt  }
0x74: {  	_ =	shalt  }
0x75: {  	_ =	shalt  }
0x76: {  	_ =	shalt  }
0x77: {  	_ =	shalt  }
0x78: {  	_ =	shalt  }
0x79: {  	_ =	shalt  }
0x7a: {  	_ =	shalt  }
0x7b: {  	_ =	shalt  }
0x7c: {  	_ =	shalt  }
0x7d: {  	_ =	shalt  }
0x7e: {  	_ =	shalt  }
0x7f: {  	_ =	shalt  }
0x80: {  	_ =	shalt  }
0x81: {  	_ =	shalt  }
0x82: {  	_ =	shalt  }
0x83: {  	_ =	shalt  }
0x84: {  	_ =	shalt  }
0x85: {  	_ =	shalt  }
0x86: {  	_ =	shalt  }
0x87: {  	_ =	shalt  }
.Lfunc_end0:
.L_simem_size_0:
called_computation.2_lowered:
.L_overlay_start_0:
0x88: {  	s2 =	sld [smem:$0x3FD9]  }
0x89: {  	s3 =	sld [smem:$0x3FFE];
	_ =	sdelay $0x1  }
0x8a: {  	s1 =	srdreg.scid  }
0x8b: {  	s0 =	sand.u32 $0x1, s1  }
0x8c: {  	s16 =	sshll.u32 s0, $0xA;
	s2 =	sadd.s32 s3, s2  }
0x8d: {  	s2 =	sadd.s32 s2, s16  }
0x8e: {  	[smem:$0x3FC0] =	sst s2  }
0x8f: {  	_ = 	snop  }
0x90: {  	(tm) =	ssettm $0x1  }
0x91: {  	s17 =	sld [smem:$0x3FFB];
	_ =	sdelay $0x3  }
0x92: {  	_ =	strace s17  }
0x93: {  	s2 =	sld [smem:$0x3FFC];
	_ =	sdelay $0x3  }
0x94: {  	_ =	strace s2  }
0x95: {  	s2 =	sld [smem:$0x3FFD];
	_ =	sdelay $0x3  }
0x96: {  	_ =	strace s2  }
0x97: {  	_ =	strace $0x8FFFFFFF  }
0x98: {  	s18 =	sld [smem:$0x3FDB];
	_ =	sdelay $0x1  }
0x99: {  	s19 =	simm.s32 $_scs_section_size  }
0x9a: {  	s4 =	simm.s32 $_size__tile_overlayer_lowered;
	s5 =	simm.s32 $_tile_overlayer_lowered  }
0x9b: {  	s22 =	simm.s32 $0x1BFF;
	s21 =	sshll.u32 s5, $0x1;
	s2 =	sadd.s32 s19, s18  }
0x9c: {  	s6 =	simm.s32 $0x0;
	s20 =	sshll.u32 s4, $0x1;
	s4 =	sadd.s32 s21, s2  }
0x9d: {  	[timem:s6], [sflag:s22] =	dma.local [hbm:s4], s20  }
0x9e: {  	_ =	swait.ge [sflag:s22], s20  }
0x9f: {  	s3 =	ssub.s32 $0x0, s20;
	[sflag:s22] =	ssyncset.done $0x0  }
0xa0: {  	[sflag:s22] =	ssyncadd.s32 s3;
	_ =	sdelay $0x1  }
0xa1: {  	s23 =	simm.s32 $0x1B8B  }
0xa2: {  	_ =	swait.ge [sflag:s23], $0x1  }
0xa3: {  	[sflag:s23] =	ssyncset.done $0x0  }
0xa4: {  	s25 =	simm.s32 $0x1B8E;
	s24 =	sld [smem:$0x3FFE];
	[sflag:s23] =	ssyncadd.s32 $0xFFFFFFFF  }
0xa5: {  	s26 =	simm.s32 $execute0_lowered;
	[smem:$0x3FD2] =	sst s25  }
0xa6: {  	s4 =	sshll.u32 s26, $0x1;
	_ =	strace $0x8000004C;
	[dreg:$0x1] =	wrdreg $0xFFFFFFFF  }
0xa7: {  	s28 =	simm.s32 $_size_execute0_lowered;
	s2 =	sadd.s32 s2, s4;
	[dreg:$0x0] =	wrdreg $0x0  }
0xa8: {  	s4 =	sshll.u32 s28, $0x1;
	[dreg:$0x2] =	wrdreg s2  }
0xa9: {  	[dreg:$0x3] =	wrdreg s4  }
0xaa: {  	[dreg:$0x4] =	wrdreg $0xC0  }
0xab: {  	_ =	task [dreg:s6], $0x5FFFF  }
0xac: {  	[dreg:$0x1] =	wrdreg $0xFFFFFFFF  }
0xad: {  	[dreg:$0x0] =	wrdreg $0x60  }
0xae: {  	[dreg:$0x2] =	wrdreg s24  }
0xaf: {  	[dreg:$0x3] =	wrdreg $0x90000  }
0xb0: {  	[dreg:$0x4] =	wrdreg $0x9  }
0xb1: {  	_ =	task.clear_ibuf [dreg:s6], $0x5FFFF;
	_ =	strace $0x9000004C  }
0xb2: {  	s29 =	simm.s32 $0x9;
	_ =	strace $0x8000004E  }
0xb3: {  	_ =	swait.ge [sflag:s29], $0x1  }
0xb4: {  	[sflag:s29] =	ssyncadd.s32 $0xFFFFFFFF  }
0xb5: {  	_ =	strace $0x9000004E  }
0xb6: {  	_ =	sfence  }
0xb7: {  	s30 =	sld [smem:$0x0];
	_ =	sdelay $0x2  }
0xb8: {  	s31 =	sshll.u32 s1, $0xD;
	s1 =	sshrl.u32 s1, $0x2  }
0xb9: {  	s3 =	sand.u32 $0x4000, s31;
	s1 =	sadd.s32 s1, s30  }
0xba: {  	s0 =	sor.u32 s3, s0;
	s1 =	sshll.u32 s1, $0x11  }
0xbb: {  	s0 =	sor.u32 s1, s0  }
0xbc: {  	s0 =	sadd.s32 $0x8F2B, s0  }
0xbd: {  	[sflag:s0] =	ssyncadd.remote.s32 $0x1  }
0xbe: {  	_ =	sfence.sel $0xFFFF  }
0xbf: {  	[dreg:$0x0] =	wrdreg $0xFFFFFFFF;
	(pc) =	sbr.abs _section_cstart, $3  }
0xc0: {  	[dreg:$0x1] =	wrdreg $0xFFFFFFFF  }
0xc1: {  	_ =	task.clear_ibuf [dreg:s6], $0x2FFFF;
	_ =	strace $0x9FFFFFFF  }
0xc2: {  	(tm) =	ssettm $0x7FFFFFFF  }
0xc3: {  	_ =	shalt  }
tec
execute0_lowered:
.L_overlay_start_1:
0x0: {  	(tag) =	ssettag $0x1  }
0x1: {  	s0 =	rddreg [dreg:$0x0]  }
0x2: {  	s2 =	rddreg [dreg:$0x1];
	s1 =	srdreg.scid  }
0x3: {  	s10 =	stileid.u32;
	s3 =	simm.s32 $0x0;
	s12 =	simm.s32 $0x3  }
0x4: {  	s13 =	simm.s32 $0x800;
	s14 =	simm.s32 $0x80;
	s15 =	simm.s32 $0x1000  }
0x5: {  	s16 =	simm.s32 $0x1;
	s17 =	simm.s32 $0x5000;
	s18 =	simm.s32 $0x2  }
0x6: {  	s31 =	simm.s32 $0x580;
	s11 =	simm.s32 $0xF00;
	s4 =	smul.u32 $0x9, s10  }
0x7: {  	s19 =	simm.s32 $0xF80;
	s1 =	sand.u32 $0x1, s1;
	s6 =	smul.u32 $0x2800, s10  }
0x8: {  	[smem:$0x7FF] =	sst s3;
	s5 =	sor.u32 $0x90, s10;
	s8 =	smul.u32 $0x50000, s10  }
0x9: {  	s24 =	sshll.u32 s10, $0x6;
	s10 =	simm.s32 $0xE80;
	p0 =	seq.s32 s1, $0x0  }
0xa: {  	_ =	strace $0x8000004D;
	s7 =	smul.u32 $0x28000, s1;
	s21 =	ssub.s32 $0x2, s1  }
0xb: {  	s29 =	sor.u32 $0x1C03, s24;
	s24 =	simm.s32 $0xC00;
	s5 =	smov.u32 @p0 s4  }
0xc: {  	s4 =	sadd.s32 $0x67400, s0;
	s9 =	sadd.s32 s6, s0;
	s22 =	sshrl.u32 s21, $0x1  }
0xd: {  	s8 =	sshrl.u32 s8, $0x2;
	p0 =	sne.s32 s1, $0x0;
	[dreg:$0x4] =	wrdreg s29  }
0xe: {  	s1 =	simm.s32 $0x600;
	s5 =	sshll.u32 s5, $0x8;
	s6 =	sadd.s32 s6, s7  }
0xf: {  	s23 =	sadd.s32 s8, s2;
	s9 =	sadd.s32 $0x8E600, s9;
	s7 =	simm.s32 $0x680  }
0x10: {  	s8 =	simm.s32 $0xE00;
	s5 =	sadd.s32 s5, s0;
	s0 =	sadd.s32 s6, s0  }
0x11: {  	s6 =	ssub.s32 s21, s22;
	[dreg:$0x3] =	wrdreg s9;
	s30 =	sshrl.u32 s23, $0x3  }
0x12: {  	s21 =	simm.s32 $0x400;
	s0 =	sadd.s32 $0xB6600, s0;
	[dreg:$0x9] =	wrdreg s30  }
0x13: {  	s22 =	simm.s32 $0xB80;
	s25 =	smax.u32 s6, $0x1;
	[dreg:$0x5] =	wrdreg s0  }
0x14: {  	s23 =	simm.s32 $0x480;
	s26 =	sadd.s32 $0x2400, s5;
	[dreg:$0x6] =	wrdreg s25  }
0x15: {  	s9 =	simm.s32 $0x700;
	s28 =	sadd.s32 $0xD400, s5;
	[dreg:$0x7] =	wrdreg s26  }
0x16: {  	s5 =	simm.s32 $0xD80;
	s6 =	simm.s32 $0x780;
	[dreg:$0x8] =	wrdreg s28  }
0x17: {  	s0 =	simm.s32 $0x0;
	s25 =	simm.s32 $0x500;
	s26 =	simm.s32 $0xC80  }
.LBB2_1:
0x18: {  	[dreg:$0xa] =	wrdreg s0  }
0x19: {  	s28 =	rddreg [dreg:$0x3]  }
0x1a: {  	[spmem:s30], [sflag:s29] =	dma.local [hbm:s28], $0x2800  }
0x1b: {  	_ =	swait.ge [sflag:s12], $0x2800  }
0x1c: {  	[sflag:s12] =	ssyncset.done $0x0  }
0x1d: {  	[sflag:s12] =	ssyncadd.s32 $0xFFFFD800  }
0x1e: {  	[bflag:$0x0] =	sbarrier.arrive $0xFFFF  }
0x1f: {  	s28 =	rddreg [dreg:$0x8]  }
0x20: {  	s0 =	simm.s32 $0xD00;
	s30 =	simm.s32 $0x0;
	s29 =	rddreg [dreg:$0x7]  }
.LBB2_2:
0x21: {  	[tilespmem:s3], [sflag:$0x3] =	stream.linear.gather [hbm4b:s28+s3], $0x800, $0x38;
	[tilespmem:$0x1D000] =	vst v63  }
0x22: {  	_ =	swait.ge [sflag:s12], $0x800  }
0x23: {  	[sflag:s12] =	ssyncset.done $0x0  }
0x24: {  	[sflag:s12] =	ssyncadd.s32 $0xFFFFF800  }
0x25: {  	[tilespmem:s13], [sflag:$0x3] =	stream.linear.gather [hbm4b:s29+s3], $0x800, $0x38;
	[tilespmem:$0x1D000] =	vst v63  }
0x26: {  	_ =	swait.ge [sflag:s12], $0x800  }
0x27: {  	[sflag:s12] =	ssyncset.done $0x0  }
0x28: {  	[sflag:s12] =	ssyncadd.s32 $0xFFFFF800  }
0x29: {  	[tilespmem:s15], [sflag:$0x1] =	stream.indirect.gather [hbm4b:s4+s14], $0x80, s3, s14, $0xb8;
	[tilespmem:$0x1D000] =	vst v63  }
0x2a: {  	_ =	swait.ge [sflag:s16], $0x4000  }
0x2b: {  	[sflag:s16] =	ssyncset.done $0x0  }
0x2c: {  	[sflag:s16] =	ssyncadd.s32 $0xFFFFC000  }
0x2d: {  	[tilespmem:s17], [sflag:$0x2] =	stream.indirect.gather [hbm4b:s4+s14], $0x80, s14, s14, $0xb8;
	[tilespmem:$0x1D000] =	vst v63  }
0x2e: {  	_ = 	snop  }
0x2f: {  	[spmem:s2] =	stream.indirect.scatter.add.f32 [tilespmem:s15], [sflag:$0x3], $0x80, s13, s14, $0xb8;
	[tilespmem:$0x1D000] =	vst v63  }
0x30: {  	_ =	swait.ge [sflag:s12], $0x4000  }
0x31: {  	[sflag:s12] =	ssyncset.done $0x0  }
0x32: {  	[sflag:s12] =	ssyncadd.s32 $0xFFFFC000  }
0x33: {  	_ =	swait.ge [sflag:s18], $0x4000  }
0x34: {  	[sflag:s18] =	ssyncset.done $0x0  }
0x35: {  	s20 =	simm.s32 $0x100;
	[sflag:s18] =	ssyncadd.s32 $0xFFFFC000  }
0x36: {  	[tilespmem:s15], [sflag:$0x1] =	stream.indirect.gather [hbm4b:s4+s14], $0x80, s20, s14, $0xb8;
	[tilespmem:$0x1D000] =	vst v63  }
0x37: {  	s20 =	simm.s32 $0x880  }
0x38: {  	[spmem:s2] =	stream.indirect.scatter.add.f32 [tilespmem:s17], [sflag:$0x3], $0x80, s20, s14, $0xb8;
	[tilespmem:$0x1D000] =	vst v63  }
0x39: {  	_ =	swait.ge [sflag:s12], $0x4000  }
0x3a: {  	[sflag:s12] =	ssyncset.done $0x0  }
0x3b: {  	[sflag:s12] =	ssyncadd.s32 $0xFFFFC000  }
0x3c: {  	_ =	swait.ge [sflag:s16], $0x4000  }
0x3d: {  	[sflag:s16] =	ssyncset.done $0x0  }
0x3e: {  	s20 =	simm.s32 $0x180;
	[sflag:s16] =	ssyncadd.s32 $0xFFFFC000  }
0x3f: {  	[tilespmem:s17], [sflag:$0x2] =	stream.indirect.gather [hbm4b:s4+s14], $0x80, s20, s14, $0xb8;
	[tilespmem:$0x1D000] =	vst v63  }
0x40: {  	s20 =	simm.s32 $0x900  }
0x41: {  	[spmem:s2] =	stream.indirect.scatter.add.f32 [tilespmem:s15], [sflag:$0x3], $0x80, s20, s14, $0xb8;
	[tilespmem:$0x1D000] =	vst v63  }
0x42: {  	_ =	swait.ge [sflag:s12], $0x4000  }
0x43: {  	[sflag:s12] =	ssyncset.done $0x0  }
0x44: {  	[sflag:s12] =	ssyncadd.s32 $0xFFFFC000  }
0x45: {  	_ =	swait.ge [sflag:s18], $0x4000  }
0x46: {  	[sflag:s18] =	ssyncset.done $0x0  }
0x47: {  	s20 =	simm.s32 $0x200;
	[sflag:s18] =	ssyncadd.s32 $0xFFFFC000  }
0x48: {  	[tilespmem:s15], [sflag:$0x1] =	stream.indirect.gather [hbm4b:s4+s14], $0x80, s20, s14, $0xb8;
	[tilespmem:$0x1D000] =	vst v63  }
0x49: {  	s20 =	simm.s32 $0x980  }
0x4a: {  	[spmem:s2] =	stream.indirect.scatter.add.f32 [tilespmem:s17], [sflag:$0x3], $0x80, s20, s14, $0xb8;
	[tilespmem:$0x1D000] =	vst v63  }
0x4b: {  	_ =	swait.ge [sflag:s12], $0x4000  }
0x4c: {  	[sflag:s12] =	ssyncset.done $0x0  }
0x4d: {  	[sflag:s12] =	ssyncadd.s32 $0xFFFFC000  }
0x4e: {  	_ =	swait.ge [sflag:s16], $0x4000  }
0x4f: {  	[sflag:s16] =	ssyncset.done $0x0  }
0x50: {  	s20 =	simm.s32 $0x280;
	[sflag:s16] =	ssyncadd.s32 $0xFFFFC000  }
0x51: {  	[tilespmem:s17], [sflag:$0x2] =	stream.indirect.gather [hbm4b:s4+s14], $0x80, s20, s14, $0xb8;
	[tilespmem:$0x1D000] =	vst v63  }
0x52: {  	s20 =	simm.s32 $0xA00  }
0x53: {  	[spmem:s2] =	stream.indirect.scatter.add.f32 [tilespmem:s15], [sflag:$0x3], $0x80, s20, s14, $0xb8;
	[tilespmem:$0x1D000] =	vst v63  }
0x54: {  	_ =	swait.ge [sflag:s12], $0x4000  }
0x55: {  	[sflag:s12] =	ssyncset.done $0x0  }
0x56: {  	[sflag:s12] =	ssyncadd.s32 $0xFFFFC000  }
0x57: {  	_ =	swait.ge [sflag:s18], $0x4000  }
0x58: {  	[sflag:s18] =	ssyncset.done $0x0  }
0x59: {  	s20 =	simm.s32 $0x300;
	[sflag:s18] =	ssyncadd.s32 $0xFFFFC000  }
0x5a: {  	[tilespmem:s15], [sflag:$0x1] =	stream.indirect.gather [hbm4b:s4+s14], $0x80, s20, s14, $0xb8;
	[tilespmem:$0x1D000] =	vst v63  }
0x5b: {  	s20 =	simm.s32 $0xA80  }
0x5c: {  	[spmem:s2] =	stream.indirect.scatter.add.f32 [tilespmem:s17], [sflag:$0x3], $0x80, s20, s14, $0xb8;
	[tilespmem:$0x1D000] =	vst v63  }
0x5d: {  	_ =	swait.ge [sflag:s12], $0x4000  }
0x5e: {  	[sflag:s12] =	ssyncset.done $0x0  }
0x5f: {  	[sflag:s12] =	ssyncadd.s32 $0xFFFFC000  }
0x60: {  	_ =	swait.ge [sflag:s16], $0x4000  }
0x61: {  	[sflag:s16] =	ssyncset.done $0x0  }
0x62: {  	s20 =	simm.s32 $0x380;
	[sflag:s16] =	ssyncadd.s32 $0xFFFFC000  }
0x63: {  	[tilespmem:s17], [sflag:$0x2] =	stream.indirect.gather [hbm4b:s4+s14], $0x80, s20, s14, $0xb8;
	[tilespmem:$0x1D000] =	vst v63  }
0x64: {  	s20 =	simm.s32 $0xB00  }
0x65: {  	[spmem:s2] =	stream.indirect.scatter.add.f32 [tilespmem:s15], [sflag:$0x3], $0x80, s20, s14, $0xb8;
	[tilespmem:$0x1D000] =	vst v63  }
0x66: {  	_ =	swait.ge [sflag:s12], $0x4000  }
0x67: {  	[sflag:s12] =	ssyncset.done $0x0  }
0x68: {  	[sflag:s12] =	ssyncadd.s32 $0xFFFFC000  }
0x69: {  	_ =	swait.ge [sflag:s18], $0x4000  }
0x6a: {  	[sflag:s18] =	ssyncset.done $0x0  }
0x6b: {  	[sflag:s18] =	ssyncadd.s32 $0xFFFFC000  }
0x6c: {  	[tilespmem:s15], [sflag:$0x1] =	stream.indirect.gather [hbm4b:s4+s14], $0x80, s21, s14, $0xb8;
	[tilespmem:$0x1D000] =	vst v63  }
0x6d: {  	_ = 	snop  }
0x6e: {  	[spmem:s2] =	stream.indirect.scatter.add.f32 [tilespmem:s17], [sflag:$0x3], $0x80, s22, s14, $0xb8;
	[tilespmem:$0x1D000] =	vst v63  }
0x6f: {  	_ =	swait.ge [sflag:s12], $0x4000  }
0x70: {  	[sflag:s12] =	ssyncset.done $0x0  }
0x71: {  	[sflag:s12] =	ssyncadd.s32 $0xFFFFC000  }
0x72: {  	_ =	swait.ge [sflag:s16], $0x4000  }
0x73: {  	[sflag:s16] =	ssyncset.done $0x0  }
0x74: {  	[sflag:s16] =	ssyncadd.s32 $0xFFFFC000  }
0x75: {  	[tilespmem:s17], [sflag:$0x2] =	stream.indirect.gather [hbm4b:s4+s14], $0x80, s23, s14, $0xb8;
	[tilespmem:$0x1D000] =	vst v63  }
0x76: {  	_ = 	snop  }
0x77: {  	[spmem:s2] =	stream.indirect.scatter.add.f32 [tilespmem:s15], [sflag:$0x3], $0x80, s24, s14, $0xb8;
	[tilespmem:$0x1D000] =	vst v63  }
0x78: {  	_ =	swait.ge [sflag:s12], $0x4000  }
0x79: {  	[sflag:s12] =	ssyncset.done $0x0  }
0x7a: {  	[sflag:s12] =	ssyncadd.s32 $0xFFFFC000  }
0x7b: {  	_ =	swait.ge [sflag:s18], $0x4000  }
0x7c: {  	[sflag:s18] =	ssyncset.done $0x0  }
0x7d: {  	[sflag:s18] =	ssyncadd.s32 $0xFFFFC000  }
0x7e: {  	[tilespmem:s15], [sflag:$0x1] =	stream.indirect.gather [hbm4b:s4+s14], $0x80, s25, s14, $0xb8;
	[tilespmem:$0x1D000] =	vst v63  }
0x7f: {  	_ = 	snop  }
0x80: {  	[spmem:s2] =	stream.indirect.scatter.add.f32 [tilespmem:s17], [sflag:$0x3], $0x80, s26, s14, $0xb8;
	[tilespmem:$0x1D000] =	vst v63  }
0x81: {  	_ =	swait.ge [sflag:s12], $0x4000  }
0x82: {  	[sflag:s12] =	ssyncset.done $0x0  }
0x83: {  	[sflag:s12] =	ssyncadd.s32 $0xFFFFC000  }
0x84: {  	_ =	swait.ge [sflag:s16], $0x4000  }
0x85: {  	[sflag:s16] =	ssyncset.done $0x0  }
0x86: {  	[sflag:s16] =	ssyncadd.s32 $0xFFFFC000  }
0x87: {  	[tilespmem:s17], [sflag:$0x2] =	stream.indirect.gather [hbm4b:s4+s14], $0x80, s31, s14, $0xb8;
	[tilespmem:$0x1D000] =	vst v63  }
0x88: {  	_ = 	snop  }
0x89: {  	[spmem:s2] =	stream.indirect.scatter.add.f32 [tilespmem:s15], [sflag:$0x3], $0x80, s0, s14, $0xb8;
	[tilespmem:$0x1D000] =	vst v63  }
0x8a: {  	_ =	swait.ge [sflag:s12], $0x4000  }
0x8b: {  	[sflag:s12] =	ssyncset.done $0x0  }
0x8c: {  	[sflag:s12] =	ssyncadd.s32 $0xFFFFC000  }
0x8d: {  	_ =	swait.ge [sflag:s18], $0x4000  }
0x8e: {  	[sflag:s18] =	ssyncset.done $0x0  }
0x8f: {  	[sflag:s18] =	ssyncadd.s32 $0xFFFFC000  }
0x90: {  	[tilespmem:s15], [sflag:$0x1] =	stream.indirect.gather [hbm4b:s4+s14], $0x80, s1, s14, $0xb8;
	[tilespmem:$0x1D000] =	vst v63  }
0x91: {  	_ = 	snop  }
0x92: {  	[spmem:s2] =	stream.indirect.scatter.add.f32 [tilespmem:s17], [sflag:$0x3], $0x80, s5, s14, $0xb8;
	[tilespmem:$0x1D000] =	vst v63  }
0x93: {  	_ =	swait.ge [sflag:s12], $0x4000  }
0x94: {  	[sflag:s12] =	ssyncset.done $0x0  }
0x95: {  	[sflag:s12] =	ssyncadd.s32 $0xFFFFC000  }
0x96: {  	_ =	swait.ge [sflag:s16], $0x4000  }
0x97: {  	[sflag:s16] =	ssyncset.done $0x0  }
0x98: {  	[sflag:s16] =	ssyncadd.s32 $0xFFFFC000  }
0x99: {  	[tilespmem:s17], [sflag:$0x2] =	stream.indirect.gather [hbm4b:s4+s14], $0x80, s7, s14, $0xb8;
	[tilespmem:$0x1D000] =	vst v63  }
0x9a: {  	_ = 	snop  }
0x9b: {  	[spmem:s2] =	stream.indirect.scatter.add.f32 [tilespmem:s15], [sflag:$0x3], $0x80, s8, s14, $0xb8;
	[tilespmem:$0x1D000] =	vst v63  }
0x9c: {  	_ =	swait.ge [sflag:s12], $0x4000  }
0x9d: {  	[sflag:s12] =	ssyncset.done $0x0  }
0x9e: {  	[sflag:s12] =	ssyncadd.s32 $0xFFFFC000  }
0x9f: {  	_ =	swait.ge [sflag:s18], $0x4000  }
0xa0: {  	[sflag:s18] =	ssyncset.done $0x0  }
0xa1: {  	[sflag:s18] =	ssyncadd.s32 $0xFFFFC000  }
0xa2: {  	[tilespmem:s15], [sflag:$0x1] =	stream.indirect.gather [hbm4b:s4+s14], $0x80, s9, s14, $0xb8;
	[tilespmem:$0x1D000] =	vst v63  }
0xa3: {  	_ = 	snop  }
0xa4: {  	[spmem:s2] =	stream.indirect.scatter.add.f32 [tilespmem:s17], [sflag:$0x3], $0x80, s10, s14, $0xb8;
	[tilespmem:$0x1D000] =	vst v63  }
0xa5: {  	_ =	swait.ge [sflag:s12], $0x4000  }
0xa6: {  	[sflag:s12] =	ssyncset.done $0x0  }
0xa7: {  	[sflag:s12] =	ssyncadd.s32 $0xFFFFC000  }
0xa8: {  	_ =	swait.ge [sflag:s16], $0x4000  }
0xa9: {  	[sflag:s16] =	ssyncset.done $0x0  }
0xaa: {  	[sflag:s16] =	ssyncadd.s32 $0xFFFFC000  }
0xab: {  	[tilespmem:s17], [sflag:$0x2] =	stream.indirect.gather [hbm4b:s4+s14], $0x80, s6, s14, $0xb8;
	[tilespmem:$0x1D000] =	vst v63  }
0xac: {  	_ = 	snop  }
0xad: {  	[spmem:s2] =	stream.indirect.scatter.add.f32 [tilespmem:s15], [sflag:$0x3], $0x80, s11, s14, $0xb8;
	[tilespmem:$0x1D000] =	vst v63  }
0xae: {  	_ =	swait.ge [sflag:s12], $0x4000  }
0xaf: {  	[sflag:s12] =	ssyncset.done $0x0  }
0xb0: {  	[sflag:s12] =	ssyncadd.s32 $0xFFFFC000  }
0xb1: {  	p1 =	slt.u32 @!p0 s30, $0x8;
	_ =	swait.ge [sflag:s18], $0x4000  }
0xb2: {  	p1 =	por p0, !p1;
	[sflag:s18] =	ssyncset.done $0x0  }
.Ltmp0:
0xb3: {  	[sflag:s18] =	ssyncadd.s32 $0xFFFFC000;
	(pc) =	sbr.rel @!p1 .LBB2_2-.Ltmp0, $4  }
0xb4: {  	[spmem:s2] =	stream.indirect.scatter.add.f32 [tilespmem:s17], [sflag:$0x3], $0x80, s19, s14, $0xb8;
	[tilespmem:$0x1D000] =	vst v63  }
0xb5: {  	_ =	swait.ge [sflag:s12], $0x4000  }
0xb6: {  	s30 =	sadd.s32 $0x1, s30;
	[sflag:s12] =	ssyncset.done $0x0  }
0xb7: {  	s28 =	sadd.s32 $0x100, s28;
	s29 =	sadd.s32 $0x100, s29;
	[sflag:s12] =	ssyncadd.s32 $0xFFFFC000  }
0xb8: {  	[bflag:$0x0] =	sbarrier.arrive $0xFFFF  }
0xb9: {  	s29 =	rddreg [dreg:$0x4]  }
0xba: {  	s28 =	rddreg [dreg:$0x5]  }
0xbb: {  	s30 =	rddreg [dreg:$0x9]  }
0xbc: {  	[hbm:s28], [sflag:s29] =	dma.local [spmem:s30], $0x2800  }
0xbd: {  	_ =	swait.ge [sflag:s12], $0x2800  }
0xbe: {  	s0 =	rddreg [dreg:$0xa]  }
0xbf: {  	s20 =	rddreg [dreg:$0x6];
	s0 =	sadd.s32 $0x1, s0  }
0xc0: {  	p1 =	sne.s32 s0, s20  }
.Ltmp1:
0xc1: {  	_ = 	snop;
	(pc) =	sbr.rel @p1 .LBB2_1-.Ltmp1, $3  }
0xc2: {  	_ =	sdelay $0x1  }
0xc3: {  	[sflag:s12] =	ssyncset.done $0x0  }
0xc4: {  	[sflag:s12] =	ssyncadd.s32 $0xFFFFD800  }
0xc5: {  	_ =	sfence.sel $0x180000  }
0xc6: {  	[bflag:$0x0] =	sbarrier.arrive $0xFFFF  }
0xc7: {  	_ =	strace $0x9000004D  }
0xc8: {  	s0 =	stileid.u32;
	[bflag:$0x2] =	sbarrier.arrive $0xFFFF  }
0xc9: {  	p0 =	sne.s32 s0, $0x0;
	s0 =	rddreg [dreg:$0x2]  }
0xca: {  	s0 =	sadd.s32 @!p0 $0x100000, s0  }
0xcb: {  	[sflag:s0] =	ssyncadd.tile.s32 @!p0 $0x1;
	_ =	shalt  }
.Lfunc_end2:
_tile_overlayer_lowered:
.L_overlay_start_2:
0xcc: {  	(tag) =	ssettag $0x2  }
0xcd: {  	s0 =	rddreg [dreg:$0x0];
	s2 =	stileid.u32  }
0xce: {  	s1 =	rddreg [dreg:$0x1];
	p0 =	sne.s32 s2, $0x0  }
0xcf: {  	s3 =	rddreg [dreg:$0x2];
	[bflag:$0x3] =	sbarrier.arrive $0xFFFF;
	s2 =	simm.s32 @!p0 $0x1C03  }
0xd0: {  	[timem:s3], [sflag:s2] =	dma.local @!p0 [hbm:s0], s1  }
0xd1: {  	s0 =	simm.s32 @!p0 $0x3  }
0xd2: {  	_ =	swait.ge @!p0 [sflag:s0], s1  }
0xd3: {  	s1 =	ssub.s32 @!p0 $0x0, s1;
	[sflag:s0] =	ssyncset.done @!p0 $0x0  }
0xd4: {  	[sflag:s0] =	ssyncadd.s32 @!p0 s1  }
0xd5: {  	[bflag:$0x3] =	sbarrier.arrive $0xFFFF  }
0xd6: {  	_ =	shalt  }

// kernel: kernel.8.cloned.1.call-start
scs
__scs_entry_jumppad:
0x0: {  	(pc) =	sbr.rel $0x88, $3  }
0x1: {  	(tag) =	ssettag $0x0;
	lr =	simm.s32 $0x1  }
0x2: {  	[smem:$0x3F99] =	sst lr;
	_ =	strace $0xD0000000  }
0x3: {  	_ = 	snop  }
0x4: {  	_ = 	snop  }
0x5: {  	_ = 	snop  }
0x6: {  	_ = 	snop  }
0x7: {  	_ = 	snop  }
__scs_overlays_trampoline_lowered:
0x8: {  	[smem:$0x3FA8] =	sst s0  }
0x9: {  	[smem:$0x3FA9] =	sst s1  }
0xa: {  	[smem:$0x3FAA] =	sst s2  }
0xb: {  	[smem:$0x3FAB] =	sst s3  }
0xc: {  	[smem:$0x3FAC] =	sst s4  }
0xd: {  	[smem:$0x3FAD] =	sst s5  }
0xe: {  	[smem:$0x3FAE] =	sst s6  }
0xf: {  	[smem:$0x3FAF] =	sst s7  }
0x10: {  	[smem:$0x3FB0] =	sst s8  }
0x11: {  	[smem:$0x3FB1] =	sst s9;
	s0 =	simm.s32 @!p0 $0x0  }
0x12: {  	s1 =	sld [smem:$0x3F97];
	s0 =	simm.s32 @p0 $0x1  }
0x13: {  	[smem:$0x3FB2] =	sst s0;
	s0 =	simm.s32 @!p1 $0x0  }
0x14: {  	s2 =	sld [smem:$0x3F96];
	s0 =	simm.s32 @p1 $0x1  }
0x15: {  	[smem:$0x3FB3] =	sst s0;
	s0 =	simm.s32 @!p2 $0x0  }
0x16: {  	s3 =	sld [smem:$0x3FDB];
	s0 =	simm.s32 @p2 $0x1  }
0x17: {  	s4 =	simm.s32 $0x1BF5;
	[smem:$0x3FB5] =	sst s0  }
0x18: {  	s0 =	sld [smem:$0x3F98];
	_ =	swait.ge [sflag:s4], $0x0  }
0x19: {  	s7 =	sld [smem:$0x3F99]  }
0x1a: {  	s8 =	sadd.s32 $0xFFFFE003, lr  }
0x1b: {  	s9 =	sadd.s32 $0xFFFFFEF7, lr;
	s5 =	simm.s32 $0xFFFFFFFF;
	p2 =	slt.u32 s8, $0xFFFFF086  }
0x1c: {  	p1 =	slt.u32 s9, $0xF7A;
	s5 =	simm.s32 @!p2 $0x0  }
0x1d: {  	s5 =	simm.s32 @p1 $0x1;
	p0 =	seq.s32 s7, s2  }
0x1e: {  	s7 =	smul.u32 @!p0 $0xF7A, s2;
	p2 =	seq.s32 @!p0 s5, $0x0  }
0x1f: {  	s9 =	smul.u32 $0xF7A, s1;
	s8 =	simm.s32 @!p0 $0x1BF5;
	p2 =	por !p2, p0  }
0x20: {  	[sflag:s8] =	ssyncset.s32 @!p0 $0xFFFFF086;
	s6 =	sadd.s32 @!p0 s3, s7;
	s7 =	simm.s32 @!p0 $0x108  }
0x21: {  	s3 =	sadd.s32 s3, s9;
	s6 =	sadd.s32 @!p0 $0x88, s6;
	s7 =	simm.s32 @p2 $0x1082  }
0x22: {  	[simem:s7], [sflag:s8] =	dma.local @!p0 [hbm:s6], $0xF7A  }
0x23: {  	s9 =	sor.u32 $0xD0000000, s2;
	s6 =	simm.s32 $0x108;
	_ =	swait.ge @!p0 [sflag:s8], $0x0  }
0x24: {  	s3 =	sadd.s32 $0x88, s3;
	s6 =	simm.s32 @!p1 $0x1082;
	[sflag:s4] =	ssyncset.s32 $0xFFFFF086  }
0x25: {  	[simem:s6], [sflag:s4] =	dma.local [hbm:s3], $0xF7A  }
0x26: {  	[smem:$0x3F99] =	sst s1;
	(tag) =	ssettag s2;
	_ =	strace s9  }
0x27: {  	s1 =	sld [smem:$0x3FA9]  }
0x28: {  	s2 =	sld [smem:$0x3FAA]  }
0x29: {  	s4 =	sld [smem:$0x3FAC]  }
0x2a: {  	p0 =	seq.s32 s5, $0x0;
	s5 =	sld [smem:$0x3FAD]  }
0x2b: {  	s6 =	sld [smem:$0x3FAE]  }
0x2c: {  	s7 =	sld [smem:$0x3FAF]  }
0x2d: {  	s3 =	simm.s32 $0x108;
	s8 =	sld [smem:$0x3FB0]  }
0x2e: {  	s3 =	simm.s32 @!p0 $0x1082;
	s9 =	sld [smem:$0x3FB1]  }
0x2f: {  	lr =	sadd.s32 s0, s3;
	s0 =	sld [smem:$0x3FA8]  }
0x30: {  	s3 =	sld [smem:$0x3FAB]  }
0x31: {  	[smem:$0x3FB4] =	sst s10  }
0x32: {  	s10 =	sld [smem:$0x3FB2];
	_ =	sdelay $0x3  }
0x33: {  	p0 =	seq.s32 s10, $0x1;
	s10 =	sld [smem:$0x3FB4];
	_ =	sdelay $0x3  }
0x34: {  	[smem:$0x3FB4] =	sst s10  }
0x35: {  	s10 =	sld [smem:$0x3FB3];
	_ =	sdelay $0x3  }
0x36: {  	p1 =	seq.s32 s10, $0x1;
	s10 =	sld [smem:$0x3FB4];
	_ =	sdelay $0x3  }
0x37: {  	[smem:$0x3FB4] =	sst s10  }
0x38: {  	s10 =	sld [smem:$0x3FB5]  }
0x39: {  	_ = 	snop;
	(pc) =	sbr.ind lr, $3  }
0x3a: {  	_ = 	snop  }
0x3b: {  	_ = 	snop  }
0x3c: {  	p2 =	seq.s32 s10, $0x1;
	s10 =	sld [smem:$0x3FB4]  }
0x3d: {  	_ =	shalt  }
0x3e: {  	_ =	shalt  }
0x3f: {  	_ =	shalt  }
0x40: {  	_ =	shalt  }
0x41: {  	_ =	shalt  }
0x42: {  	_ =	shalt  }
0x43: {  	_ =	shalt  }
0x44: {  	_ =	shalt  }
0x45: {  	_ =	shalt  }
0x46: {  	_ =	shalt  }
0x47: {  	_ =	shalt  }
0x48: {  	_ =	shalt  }
0x49: {  	_ =	shalt  }
0x4a: {  	_ =	shalt  }
0x4b: {  	_ =	shalt  }
0x4c: {  	_ =	shalt  }
0x4d: {  	_ =	shalt  }
0x4e: {  	_ =	shalt  }
0x4f: {  	_ =	shalt  }
0x50: {  	_ =	shalt  }
0x51: {  	_ =	shalt  }
0x52: {  	_ =	shalt  }
0x53: {  	_ =	shalt  }
0x54: {  	_ =	shalt  }
0x55: {  	_ =	shalt  }
0x56: {  	_ =	shalt  }
0x57: {  	_ =	shalt  }
0x58: {  	_ =	shalt  }
0x59: {  	_ =	shalt  }
0x5a: {  	_ =	shalt  }
0x5b: {  	_ =	shalt  }
0x5c: {  	_ =	shalt  }
0x5d: {  	_ =	shalt  }
0x5e: {  	_ =	shalt  }
0x5f: {  	_ =	shalt  }
0x60: {  	_ =	shalt  }
0x61: {  	_ =	shalt  }
0x62: {  	_ =	shalt  }
0x63: {  	_ =	shalt  }
0x64: {  	_ =	shalt  }
0x65: {  	_ =	shalt  }
0x66: {  	_ =	shalt  }
0x67: {  	_ =	shalt  }
0x68: {  	_ =	shalt  }
0x69: {  	_ =	shalt  }
0x6a: {  	_ =	shalt  }
0x6b: {  	_ =	shalt  }
0x6c: {  	_ =	shalt  }
0x6d: {  	_ =	shalt  }
0x6e: {  	_ =	shalt  }
0x6f: {  	_ =	shalt  }
0x70: {  	_ =	shalt  }
0x71: {  	_ =	shalt  }
0x72: {  	_ =	shalt  }
0x73: {  	_ =	shalt  }
0x74: {  	_ =	shalt  }
0x75: {  	_ =	shalt  }
0x76: {  	_ =	shalt  }
0x77: {  	_ =	shalt  }
0x78: {  	_ =	shalt  }
0x79: {  	_ =	shalt  }
0x7a: {  	_ =	shalt  }
0x7b: {  	_ =	shalt  }
0x7c: {  	_ =	shalt  }
0x7d: {  	_ =	shalt  }
0x7e: {  	_ =	shalt  }
0x7f: {  	_ =	shalt  }
0x80: {  	_ =	shalt  }
0x81: {  	_ =	shalt  }
0x82: {  	_ =	shalt  }
0x83: {  	_ =	shalt  }
0x84: {  	_ =	shalt  }
0x85: {  	_ =	shalt  }
0x86: {  	_ =	shalt  }
0x87: {  	_ =	shalt  }
.Lfunc_end0:
.L_simem_size_0:
called_computation_lowered:
.L_overlay_start_0:
0x88: {  	s2 =	sld [smem:$0x3FD9]  }
0x89: {  	s3 =	sld [smem:$0x3FFE];
	_ =	sdelay $0x1  }
0x8a: {  	s1 =	srdreg.scid  }
0x8b: {  	s0 =	sand.u32 $0x1, s1  }
0x8c: {  	s17 =	sshll.u32 s0, $0xA;
	s2 =	sadd.s32 s3, s2  }
0x8d: {  	s2 =	sadd.s32 s2, s17  }
0x8e: {  	[smem:$0x3FC0] =	sst s2  }
0x8f: {  	_ = 	snop  }
0x90: {  	s2 =	sld [smem:$0x3FD0];
	(tm) =	ssettm $0x1  }
0x91: {  	s18 =	sld [smem:$0x3FFB];
	_ =	sdelay $0x3  }
0x92: {  	_ =	strace s18  }
0x93: {  	s3 =	sld [smem:$0x3FFC];
	_ =	sdelay $0x3  }
0x94: {  	_ =	strace s3  }
0x95: {  	s3 =	sld [smem:$0x3FFD];
	_ =	sdelay $0x3  }
0x96: {  	_ =	strace s3  }
0x97: {  	_ =	strace $0x8FFFFFFF  }
0x98: {  	s19 =	sld [smem:$0x3FDB];
	_ =	sdelay $0x1  }
0x99: {  	s4 =	simm.s32 $_scs_section_size  }
0x9a: {  	s5 =	simm.s32 $_size__tile_overlayer_lowered;
	s6 =	simm.s32 $_tile_overlayer_lowered  }
0x9b: {  	s22 =	simm.s32 $0x1BFF;
	s21 =	sshll.u32 s6, $0x1;
	s3 =	sadd.s32 s4, s19  }
0x9c: {  	s7 =	simm.s32 $0x0;
	s20 =	sshll.u32 s5, $0x1;
	s5 =	sadd.s32 s21, s3  }
0x9d: {  	[timem:s7], [sflag:s22] =	dma.local [hbm:s5], s20  }
0x9e: {  	_ =	swait.ge [sflag:s22], s20  }
0x9f: {  	s4 =	ssub.s32 $0x0, s20;
	[sflag:s22] =	ssyncset.done $0x0  }
0xa0: {  	[sflag:s22] =	ssyncadd.s32 s4;
	_ =	sdelay $0x1  }
0xa1: {  	s23 =	simm.s32 $0x1B8B  }
0xa2: {  	_ =	swait.ge [sflag:s23], $0x1  }
0xa3: {  	[sflag:s23] =	ssyncset.done $0x0  }
0xa4: {  	s25 =	simm.s32 $0x1B8E;
	s24 =	sld [smem:$0x3FFE];
	[sflag:s23] =	ssyncadd.s32 $0xFFFFFFFF  }
0xa5: {  	s26 =	simm.s32 $execute0_lowered;
	[smem:$0x3FD2] =	sst s25  }
0xa6: {  	s5 =	sshll.u32 s26, $0x1;
	_ =	strace $0x80000046;
	[dreg:$0x1] =	wrdreg $0xFFFFFFFF  }
0xa7: {  	s28 =	simm.s32 $_size_execute0_lowered;
	s3 =	sadd.s32 s3, s5;
	[dreg:$0x0] =	wrdreg $0x0  }
0xa8: {  	s5 =	sshll.u32 s28, $0x1;
	[dreg:$0x2] =	wrdreg s3  }
0xa9: {  	[dreg:$0x3] =	wrdreg s5  }
0xaa: {  	[dreg:$0x4] =	wrdreg $0xC0  }
0xab: {  	_ =	task [dreg:s7], $0x5FFFF  }
0xac: {  	[dreg:$0x1] =	wrdreg $0xFFFFFFFF  }
0xad: {  	[dreg:$0x0] =	wrdreg $0x60  }
0xae: {  	[dreg:$0x2] =	wrdreg s24  }
0xaf: {  	[dreg:$0x3] =	wrdreg s2  }
0xb0: {  	[dreg:$0x4] =	wrdreg $0x28800  }
0xb1: {  	[dreg:$0x5] =	wrdreg $0x9  }
0xb2: {  	_ =	task.clear_ibuf [dreg:s7], $0x6FFFF;
	_ =	strace $0x90000046  }
0xb3: {  	s29 =	simm.s32 $0x9;
	_ =	strace $0x80000048  }
0xb4: {  	_ =	swait.ge [sflag:s29], $0x1  }
0xb5: {  	[sflag:s29] =	ssyncadd.s32 $0xFFFFFFFF  }
0xb6: {  	_ =	strace $0x90000048  }
0xb7: {  	_ =	sfence  }
0xb8: {  	s30 =	sld [smem:$0x0];
	_ =	sdelay $0x2  }
0xb9: {  	s31 =	sshll.u32 s1, $0xD;
	s1 =	sshrl.u32 s1, $0x2  }
0xba: {  	s3 =	sand.u32 $0x4000, s31;
	s1 =	sadd.s32 s1, s30  }
0xbb: {  	s0 =	sor.u32 s3, s0;
	s1 =	sshll.u32 s1, $0x11  }
0xbc: {  	s0 =	sor.u32 s1, s0  }
0xbd: {  	s0 =	sadd.s32 $0x8F2B, s0  }
0xbe: {  	[sflag:s0] =	ssyncadd.remote.s32 $0x1  }
0xbf: {  	_ =	sfence.sel $0xFFFF  }
0xc0: {  	[dreg:$0x0] =	wrdreg $0xFFFFFFFF;
	(pc) =	sbr.abs _section_cstart, $3  }
0xc1: {  	[dreg:$0x1] =	wrdreg $0xFFFFFFFF  }
0xc2: {  	_ =	task.clear_ibuf [dreg:s7], $0x2FFFF;
	_ =	strace $0x9FFFFFFF  }
0xc3: {  	(tm) =	ssettm $0x7FFFFFFF  }
tec
execute0_lowered:
.L_overlay_start_1:
0x0: {  	(tag) =	ssettag $0x1  }
0x1: {  	s5 =	rddreg [dreg:$0x0]  }
0x2: {  	s1 =	srdreg.scid;
	s2 =	rddreg [dreg:$0x1]  }
0x3: {  	s0 =	stileid.u32;
	s3 =	rddreg [dreg:$0x2];
	s4 =	simm.s32 $0x0  }
0x4: {  	s13 =	simm.s32 $0x80;
	s14 =	simm.s32 $0x0;
	s6 =	sand.u32 $0x1, s1  }
0x5: {  	s30 =	sshll.u32 s0, $0x1;
	s8 =	smul.u32 $0x280, s0;
	[smem:$0x7FF] =	sst s4  }
0x6: {  	s31 =	sshll.u32 s0, $0x6;
	s1 =	sor.u32 s6, s30;
	s9 =	smul.u32 $0x2800, s6  }
0x7: {  	s6 =	ssub.s32 $0x2, s6;
	s7 =	smul.u32 $0x500, s1;
	s1 =	rddreg [dreg:$0x3]  }
0x8: {  	_ =	strace $0x80000047;
	s10 =	sshrl.u32 s8, $0x3;
	s11 =	sshrl.u32 s6, $0x1  }
0x9: {  	s12 =	sadd.s32 s8, s3;
	s9 =	sadd.s32 s8, s9;
	s10 =	sadd.s32 s10, s5  }
0xa: {  	s11 =	ssub.s32 s6, s11;
	s6 =	sor.u32 $0x1C01, s31;
	s9 =	sshrl.u32 s9, $0x3  }
0xb: {  	s7 =	sadd.s32 s7, s5;
	s9 =	sadd.s32 s9, s5;
	s5 =	sadd.s32 $0xC400, s10  }
0xc: {  	s7 =	sadd.s32 $0x2400, s7;
	s10 =	sshrl.u32 s12, $0x3;
	s12 =	simm.s32 $0x2800  }
0xd: {  	s8 =	sadd.s32 $0xCA00, s9;
	s9 =	smax.u32 s11, $0x1;
	s11 =	simm.s32 $0x1  }
.LBB2_1:
0xe: {  	[spmem:s10], [sflag:s6] =	dma.local [hbm:s5], $0x50  }
0xf: {  	_ =	swait.ge [sflag:s11], $0x50  }
0x10: {  	[sflag:s11] =	ssyncset.done $0x0  }
0x11: {  	[sflag:s11] =	ssyncadd.s32 $0xFFFFFFB0  }
0x12: {  	[tilespmem:s12], [sflag:$0x1] =	stream.linear.gather [hbm4b:s2+s4], $0x80, $0x38;
	[tilespmem:$0x2B00] =	vst v63  }
0x13: {  	_ =	swait.ge [sflag:s11], $0x80  }
0x14: {  	[sflag:s11] =	ssyncset.done $0x0  }
0x15: {  	[sflag:s11] =	ssyncadd.s32 $0xFFFFFF80  }
0x16: {  	[tilespmem:s4], [sflag:$0x1] =	stream.linear.gather [hbm4b:s7+s4], $0x2800, $0x38;
	[tilespmem:$0x2B00] =	vst v63  }
0x17: {  	_ =	swait.ge [sflag:s11], $0x2800  }
0x18: {  	[sflag:s11] =	ssyncset.done $0x0  }
0x19: {  	[sflag:s11] =	ssyncadd.s32 $0xFFFFD800  }
0x1a: {  	s15 =	simm.s32 $0x0;
	[bflag:$0x0] =	sbarrier.arrive $0xFFFF  }
0x1b: {  	[spmem:s3] =	stream.indirect.scatter.add.f32 [tilespmem:s12], [sflag:$0x1], $0x1, s15, s13, $0xb8;
	[tilespmem:$0x2B00] =	vst v63  }
0x1c: {  	_ =	swait.ge [sflag:s11], $0x80  }
0x1d: {  	s15 =	simm.s32 $0x200;
	[sflag:s11] =	ssyncset.done $0x0  }
.LBB2_2:
0x1e: {  	s16 =	sshra.s32 s15, $0x2;
	[sflag:s11] =	ssyncadd.s32 $0xFFFFFF80;
	p0 =	sne.s32 s15, $0x9E00  }
0x1f: {  	[spmem:s3] =	stream.indirect.scatter.add.f32 [tilespmem:s12], [sflag:$0x1], $0x1, s16, s13, $0xb8;
	[tilespmem:$0x2B00] =	vst v63  }
.Ltmp0:
0x20: {  	_ = 	snop;
	(pc) =	sbr.rel @p0 .LBB2_2-.Ltmp0, $4  }
0x21: {  	_ = 	snop  }
0x22: {  	s15 =	sadd.s32 $0x200, s15  }
0x23: {  	_ =	swait.ge [sflag:s11], $0x80  }
0x24: {  	[sflag:s11] =	ssyncset.done $0x0  }
0x25: {  	s14 =	sadd.s32 $0x1, s14  }
0x26: {  	[sflag:s11] =	ssyncadd.s32 $0xFFFFFF80;
	p0 =	sne.s32 s14, s9  }
.Ltmp1:
0x27: {  	[bflag:$0x0] =	sbarrier.arrive $0xFFFF;
	(pc) =	sbr.rel @p0 .LBB2_1-.Ltmp1, $4  }
0x28: {  	[hbm:s8], [sflag:s6] =	dma.local [spmem:s10], $0x50  }
0x29: {  	_ =	swait.ge [sflag:s11], $0x50  }
0x2a: {  	[sflag:s11] =	ssyncset.done $0x0  }
0x2b: {  	[sflag:s11] =	ssyncadd.s32 $0xFFFFFFB0  }
0x2c: {  	_ =	sfence.sel $0x180000  }
0x2d: {  	[bflag:$0x0] =	sbarrier.arrive $0xFFFF  }
0x2e: {  	p0 =	sne.s32 s0, $0x0;
	_ =	strace $0x90000047  }
0x2f: {  	s0 =	sadd.s32 @!p0 $0x100000, s1;
	[bflag:$0x2] =	sbarrier.arrive $0xFFFF  }
0x30: {  	[sflag:s0] =	ssyncadd.tile.s32 @!p0 $0x1;
	_ =	shalt  }
.Lfunc_end2:
_tile_overlayer_lowered:
.L_overlay_start_2:
0x31: {  	(tag) =	ssettag $0x2  }
0x32: {  	s0 =	rddreg [dreg:$0x0];
	s2 =	stileid.u32  }
0x33: {  	s1 =	rddreg [dreg:$0x1];
	p0 =	sne.s32 s2, $0x0  }
0x34: {  	s3 =	rddreg [dreg:$0x2];
	[bflag:$0x3] =	sbarrier.arrive $0xFFFF;
	s2 =	simm.s32 @!p0 $0x1C01  }
0x35: {  	[timem:s3], [sflag:s2] =	dma.local @!p0 [hbm:s0], s1  }
0x36: {  	s0 =	simm.s32 @!p0 $0x1  }
0x37: {  	_ =	swait.ge @!p0 [sflag:s0], s1  }
0x38: {  	s1 =	ssub.s32 @!p0 $0x0, s1;
	[sflag:s0] =	ssyncset.done @!p0 $0x0  }
0x39: {  	[sflag:s0] =	ssyncadd.s32 @!p0 s1  }
0x3a: {  	[bflag:$0x3] =	sbarrier.arrive $0xFFFF  }
0x3b: {  	_ =	shalt  }

</sc_bundles>
